<compile_context>
chip_gen: v7x
topology: tpu7x:2x2x1
jax: 0.10.2.dev20260603
libtpu: 0.0.44.dev20260713+nightly
codegen_flags: <defaults>
</compile_context>

<pallas_src>
import functools

import jax
import jax.numpy as jnp
from jax import lax
from jax.experimental import pallas as pl
from jax.experimental.pallas import tpu as pltpu
from jax.experimental.pallas import tpu_sc as plsc

_B = 4


def _zbuf_rows(v16, c, budget_bytes=131072):
    for k in range(1, v16 + 1):
        if v16 % k == 0 and (v16 // k) * c * 4 <= budget_bytes:
            return v16 // k
    return 1


def _best_win(ew, mult):
    for d in range(min(128, ew), 0, -1):
        if ew % d == 0 and d % mult == 0:
            return d
    raise ValueError((ew, mult))


def _n_tiles(E):
    for nt in range(16, 0, -1):
        if E % nt == 0 and (E // nt) % 16 == 0:
            return nt
    raise ValueError(E)


_MESH = plsc.VectorSubcoreMesh(core_axis_name="c", subcore_axis_name="s")




@functools.partial(jax.jit, static_argnames=("V", "E"))
def _sc_degree(dst, w, *, V, E):
    half = E // 2
    nt = _n_tiles(half)
    ew = half // nt
    win = _best_win(ew, 8)
    n_win = ew // win
    nf = None
    for n in (16, 12, 8, 6, 4, 3, 2, 1):
        if V % n == 0 and (V // n) % 16 == 0:
            nf = n
            break
    fc = V // nf

    @functools.partial(
        pl.kernel,
        mesh=_MESH,
        compiler_params=pltpu.CompilerParams(
            needs_layout_passes=False, use_tc_tiling_on_sc=False),
        out_type=jax.ShapeDtypeStruct((2 * V,), jnp.float32),
        scratch_types=[
            pltpu.VMEM_SHARED((V,), jnp.float32),
            pltpu.VMEM((win,), jnp.int32),
            pltpu.VMEM((win,), jnp.float32),
            pltpu.VMEM((fc,), jnp.float32),
        ],
    )
    def k(dst_h, w_h, out_h, acc, didx_v, wv, zbuf):
        c = lax.axis_index("c")
        s = lax.axis_index("s")
        for j in range(fc // 16):
            zbuf[pl.ds(16 * j, 16)] = jnp.zeros((16,), jnp.float32)

        @pl.when(s < nf)
        def _zero():
            pltpu.sync_copy(zbuf, acc.at[pl.ds(s * fc, fc)])

        plsc.subcore_barrier()

        @pl.when(s < nt)
        def _work():
            base = c * half + s * ew

            @pl.loop(0, n_win)
            def _win(wi):
                eo = base + wi * win
                pltpu.sync_copy(dst_h.at[pl.ds(eo, win)], didx_v)
                pltpu.sync_copy(w_h.at[pl.ds(eo, win)], wv)
                pltpu.sync_copy(wv, acc.at[didx_v], add=True)

        plsc.subcore_barrier()

        @pl.when(s < nf)
        def _flush():
            pltpu.sync_copy(
                acc.at[pl.ds(s * fc, fc)],
                out_h.at[pl.ds(c * V + s * fc, fc)],
            )

    return k(dst, w).reshape(2, V)




def _dis_kernel(deg_ref, o_ref):
    d = deg_ref[0:1, :] + deg_ref[1:2, :] + 1e-6
    o_ref[...] = 1.0 / jnp.sqrt(d)


def _tc_dis(deg_partial, V):
    return pl.pallas_call(
        _dis_kernel,
        out_shape=jax.ShapeDtypeStruct((1, V), jnp.float32),
    )(deg_partial).reshape(V)




@functools.partial(jax.jit, static_argnames=("V", "E"))
def _sc_edge_norm(src, dst, w, dis, *, V, E):
    n_workers = None
    for n in (32, 16, 8, 4, 2, 1):
        if E % n == 0 and (E // n) % 16 == 0:
            n_workers = n
            break
    ew = E // n_workers

    @functools.partial(
        pl.kernel,
        mesh=_MESH,
        compiler_params=pltpu.CompilerParams(needs_layout_passes=False),
        out_type=jax.ShapeDtypeStruct((E,), jnp.float32),
        scratch_types=[
            pltpu.VMEM((V,), jnp.float32),
            pltpu.VMEM((ew,), jnp.int32),
            pltpu.VMEM((ew,), jnp.int32),
            pltpu.VMEM((ew,), jnp.float32),
            pltpu.VMEM((ew,), jnp.float32),
        ],
    )
    def k(src_h, dst_h, w_h, dis_h, out_h, dis_v, sv, dv, wv, ov):
        c = lax.axis_index("c")
        s = lax.axis_index("s")
        if n_workers == 32:
            wid = s * 2 + c
            active = s >= 0
        else:
            wid = s
            active = (c == 0) & (s < n_workers)
        pltpu.sync_copy(dis_h, dis_v)

        @pl.when(active)
        def _work():
            base = wid * ew
            pltpu.sync_copy(src_h.at[pl.ds(base, ew)], sv)
            pltpu.sync_copy(dst_h.at[pl.ds(base, ew)], dv)
            pltpu.sync_copy(w_h.at[pl.ds(base, ew)], wv)

            @pl.loop(0, ew // 16)
            def _chunk(j):
                sl = pl.ds(16 * j, 16)
                a = plsc.load_gather(dis_v, [sv[sl]])
                b = plsc.load_gather(dis_v, [dv[sl]])
                ov[sl] = wv[sl] * a * b

            pltpu.sync_copy(ov, out_h.at[pl.ds(base, ew)])

    return k(src, dst, w, dis)




@functools.partial(jax.jit, static_argnames=("V", "C", "E", "n_ch"))
def _sc_matvec(table3, src, dst, nw, *, V, C, E, n_ch=1):
    Cg = C // n_ch
    nt = _n_tiles(E)
    ew = E // nt
    win = _best_win(ew, 16)
    n_win = ew // win
    v16 = V // 16
    zr = _zbuf_rows(v16, Cg)

    @functools.partial(
        pl.kernel,
        mesh=_MESH,
        compiler_params=pltpu.CompilerParams(
            needs_layout_passes=False, use_tc_tiling_on_sc=False),
        out_type=jax.ShapeDtypeStruct((n_ch, _B * V, Cg), jnp.float32),
        scratch_types=[
            pltpu.VMEM_SHARED((V, Cg), jnp.float32),
            pltpu.VMEM((win,), jnp.int32),
            pltpu.VMEM((win,), jnp.int32),
            pltpu.VMEM((win,), jnp.float32),
            pltpu.VMEM((win, Cg), jnp.float32),
            pltpu.VMEM((zr, Cg), jnp.float32),
            pltpu.SemaphoreType.DMA,
        ],
    )
    def k(tab_h, src_h, dst_h, nw_h, out_h, acc, idx_v, didx_v, nw_v, rows_v,
          zbuf, sem):
        c = lax.axis_index("c")
        s = lax.axis_index("s")
        for r in range(zr):
            for cc in range(Cg // 16):
                zbuf[r, pl.ds(16 * cc, 16)] = jnp.zeros((16,), jnp.float32)

        for ch in range(n_ch):
            for p in range(2):
                b = 2 * c + p

                @pl.loop(0, v16 // zr)
                def _zero(kk):
                    pltpu.sync_copy(zbuf, acc.at[pl.ds(s * v16 + kk * zr, zr)])

                plsc.subcore_barrier()

                @pl.when(s < nt)
                def _work():
                    @pl.loop(0, n_win)
                    def _win(wi):
                        eo = s * ew + wi * win
                        pltpu.sync_copy(src_h.at[pl.ds(eo, win)], idx_v)
                        pltpu.sync_copy(dst_h.at[pl.ds(eo, win)], didx_v)
                        pltpu.sync_copy(nw_h.at[pl.ds(eo, win)], nw_v)
                        boff = jnp.full((16,), b * V, jnp.int32)
                        for j in range(win // 16):
                            sl = pl.ds(16 * j, 16)
                            idx_v[sl] = idx_v[sl] + boff
                        pltpu.async_copy(
                            tab_h.at[ch].at[idx_v], rows_v, sem).wait()

                        @pl.loop(0, win // 16)
                        def _scale(j):
                            for i in range(16):
                                e = 16 * j + i
                                spl = plsc.load_gather(
                                    nw_v, [jnp.full((16,), e, jnp.int32)]
                                )
                                for cc in range(Cg // 16):
                                    sl = pl.ds(16 * cc, 16)
                                    rows_v[e, sl] = rows_v[e, sl] * spl

                        pltpu.sync_copy(rows_v, acc.at[didx_v], add=True)

                plsc.subcore_barrier()
                pltpu.sync_copy(
                    acc.at[pl.ds(s * v16, v16)],
                    out_h.at[ch, pl.ds(b * V + s * v16, v16)],
                )
                plsc.subcore_barrier()

    return k(table3, src, dst, nw)




def _merge(ref):
    v = ref[...]
    n_ch, R, Cg = v.shape
    if n_ch == 1:
        return v.reshape(R, Cg)
    return jnp.transpose(v, (1, 0, 2)).reshape(R, n_ch * Cg)


def _mm_stats_kernel(y_ref, s1_ref, s2_ref, w_ref, o_ref, st_ref, st_acc):
    i = pl.program_id(0)
    y = _merge(y_ref)
    xt = jnp.concatenate([y, -_merge(s1_ref), 2.0 * _merge(s2_ref) - y],
                         axis=1)
    h = jnp.dot(xt, w_ref[...], preferred_element_type=jnp.float32)
    o_ref[...] = h
    part = jnp.stack([jnp.sum(h, axis=0), jnp.sum(h * h, axis=0)])

    @pl.when(i == 0)
    def _():
        st_acc[...] = jnp.zeros_like(st_acc)

    st_acc[...] += part

    @pl.when(i == pl.num_programs(0) - 1)
    def _():
        st_ref[...] = st_acc[...]


def _mm_kernel(y_ref, s1_ref, s2_ref, w_ref, o_ref):
    y = _merge(y_ref)
    xt = jnp.concatenate([y, -_merge(s1_ref), 2.0 * _merge(s2_ref) - y],
                         axis=1)
    o_ref[...] = jnp.dot(xt, w_ref[...], preferred_element_type=jnp.float32)


def _tc_combine(y, s1, s2, W, with_stats):
    n_ch, N, Cg = y.shape
    C = n_ch * Cg
    Cout = W.shape[1]
    RB = min(N, 1024)
    grid = (N // RB,)
    spec3 = pl.BlockSpec((n_ch, RB, Cg), lambda i: (0, i, 0))
    in_specs = [spec3, spec3, spec3,
                pl.BlockSpec((3 * C, Cout), lambda i: (0, 0))]
    if with_stats:
        return pl.pallas_call(
            _mm_stats_kernel,
            grid=grid,
            in_specs=in_specs,
            out_specs=[
                pl.BlockSpec((RB, Cout), lambda i: (i, 0)),
                pl.BlockSpec((2, Cout), lambda i: (0, 0)),
            ],
            out_shape=[
                jax.ShapeDtypeStruct((N, Cout), jnp.float32),
                jax.ShapeDtypeStruct((2, Cout), jnp.float32),
            ],
            scratch_shapes=[pltpu.VMEM((2, Cout), jnp.float32)],
        )(y, s1, s2, W)
    return pl.pallas_call(
        _mm_kernel,
        grid=grid,
        in_specs=in_specs,
        out_specs=pl.BlockSpec((RB, Cout), lambda i: (i, 0)),
        out_shape=jax.ShapeDtypeStruct((N, Cout), jnp.float32),
    )(y, s1, s2, W)




def _bn_body(h_ref, st_ref, g_ref, b_ref, ninv):
    st = st_ref[...]
    m = st[0:1, :] * ninv
    var = st[1:2, :] * ninv - m * m
    scale = g_ref[...] / jnp.sqrt(var + 1e-5)
    return jax.nn.relu((h_ref[...] - m) * scale + b_ref[...])


def _bn_kernel_full_pool(h_ref, st_ref, g_ref, b_ref, on_ref, op_ref, *, ninv):
    hn = _bn_body(h_ref, st_ref, g_ref, b_ref, ninv)
    on_ref[...] = hn
    R = hn.shape[0]
    op_ref[...] = jnp.mean(hn.reshape(R // 4, 4, -1), axis=1)


def _bn_kernel_pool(h_ref, st_ref, g_ref, b_ref, op_ref, *, ninv):
    hn = _bn_body(h_ref, st_ref, g_ref, b_ref, ninv)
    R = hn.shape[0]
    op_ref[...] = jnp.mean(hn.reshape(R // 4, 4, -1), axis=1)


def _bn_kernel_split(h_ref, st_ref, g_ref, b_ref, on_ref, *, ninv, out_nch):
    hn = _bn_body(h_ref, st_ref, g_ref, b_ref, ninv)
    R, C = hn.shape
    on_ref[...] = jnp.transpose(
        hn.reshape(R, out_nch, C // out_nch), (1, 0, 2))


def _bn_kernel_full(h_ref, st_ref, g_ref, b_ref, on_ref, *, ninv):
    on_ref[...] = _bn_body(h_ref, st_ref, g_ref, b_ref, ninv)


def _tc_bn(h, stats, g, b, V, emit_full, emit_pool, full_nch=None):
    N, Cout = h.shape
    RB = min(V, 1024)
    grid = (N // RB,)
    gb = g.reshape(1, Cout)
    bb = b.reshape(1, Cout)
    ninv = 1.0 / N
    in_specs = [
        pl.BlockSpec((RB, Cout), lambda i: (i, 0)),
        pl.BlockSpec((2, Cout), lambda i: (0, 0)),
        pl.BlockSpec((1, Cout), lambda i: (0, 0)),
        pl.BlockSpec((1, Cout), lambda i: (0, 0)),
    ]
    full_spec = pl.BlockSpec((RB, Cout), lambda i: (i, 0))
    pool_spec = pl.BlockSpec((RB // 4, Cout), lambda i: (i, 0))
    full_shape = jax.ShapeDtypeStruct((N, Cout), jnp.float32)
    pool_shape = jax.ShapeDtypeStruct((N // 4, Cout), jnp.float32)
    if emit_full and emit_pool:
        return pl.pallas_call(
            functools.partial(_bn_kernel_full_pool, ninv=ninv),
            grid=grid, in_specs=in_specs,
            out_specs=[full_spec, pool_spec],
            out_shape=[full_shape, pool_shape],
        )(h, stats, gb, bb)
    if emit_pool:
        return None, pl.pallas_call(
            functools.partial(_bn_kernel_pool, ninv=ninv),
            grid=grid, in_specs=in_specs,
            out_specs=pool_spec, out_shape=pool_shape,
        )(h, stats, gb, bb)
    if full_nch is not None:
        cg = Cout // full_nch
        return pl.pallas_call(
            functools.partial(_bn_kernel_split, ninv=ninv, out_nch=full_nch),
            grid=grid, in_specs=in_specs,
            out_specs=pl.BlockSpec((full_nch, RB, cg), lambda i: (0, i, 0)),
            out_shape=jax.ShapeDtypeStruct((full_nch, N, cg), jnp.float32),
        )(h, stats, gb, bb), None
    return pl.pallas_call(
        functools.partial(_bn_kernel_full, ninv=ninv),
        grid=grid, in_specs=in_specs,
        out_specs=full_spec, out_shape=full_shape,
    )(h, stats, gb, bb), None




def _level_prep(src, dst, w, V):
    E = src.shape[0]
    deg_p = _sc_degree(dst, w, V=V, E=E)
    dis = _tc_dis(deg_p, V)
    return _sc_edge_norm(src, dst, w, dis, V=V, E=E)


def _conv(table3, src, dst, nw, V, C, n_ch=1):
    E = src.shape[0]
    s1 = _sc_matvec(table3, src, dst, nw, V=V, C=C, E=E, n_ch=n_ch)
    s2 = _sc_matvec(s1, src, dst, nw, V=V, C=C, E=E, n_ch=n_ch)
    return s1, s2


def kernel(x, src5, dst5, wt5, src4, dst4, wt4, src3, dst3, wt3, src2, dst2, wt2, src1, dst1, wt1, src0, dst0, wt0, W5a, g5a, b5a, W5b, g5b, b5b, W4, g4, b4, W3, g3, b3, W2, g2, b2, W1, g1, b1, W0):
    B, V5, C0 = x.shape
    vs = [V5 // (4 ** i) for i in range(6)]

    nw5 = _level_prep(src5, dst5, wt5, vs[0])

    t = x.reshape(1, B * vs[0], C0)
    s1, s2 = _conv(t, src5, dst5, nw5, vs[0], C0)
    h, st = _tc_combine(t, s1, s2, W5a, True)
    t5a, _ = _tc_bn(h, st, g5a, b5a, vs[0], True, False, full_nch=2)

    s1, s2 = _conv(t5a, src5, dst5, nw5, vs[0], 32, n_ch=2)
    h, st = _tc_combine(t5a, s1, s2, W5b, True)
    _, t4 = _tc_bn(h, st, g5b, b5b, vs[0], False, True)

    outs = []
    params = [
        (W4, g4, b4, src4, dst4, wt4),
        (W3, g3, b3, src3, dst3, wt3),
        (W2, g2, b2, src2, dst2, wt2),
        (W1, g1, b1, src1, dst1, wt1),
    ]
    t_cur = t4
    for li, (Wl, gl, bl, srcl, dstl, wl) in enumerate(params):
        Vl = vs[1 + li]
        Cin = Wl.shape[0] // 3
        t3 = t_cur.reshape(1, B * Vl, Cin)
        nwl = _level_prep(srcl, dstl, wl, Vl)
        s1, s2 = _conv(t3, srcl, dstl, nwl, Vl, Cin)
        h, st = _tc_combine(t3, s1, s2, Wl, True)
        hfull, t_next = _tc_bn(h, st, gl, bl, Vl, True, True)
        outs.append(hfull.reshape(B, Vl, Wl.shape[1]))
        t_cur = t_next

    V0 = vs[5]
    t3 = t_cur.reshape(1, B * V0, 512)
    nw0 = _level_prep(src0, dst0, wt0, V0)
    s1, s2 = _conv(t3, src0, dst0, nw0, V0, 512)
    h0 = _tc_combine(t3, s1, s2, W0, False)

    h4, h3, h2, h1 = outs
    return (h0.reshape(B, V0, 512), h1, h2, h3, h4)

# --- scband reference (transcript-rebuilt; emitter-appended) ---
"""Pipeline reference for scband-encoder-82154134438304 (READ-ONLY COPY).

The authoritative reference and input builder live on the scoring server;
editing this copy changes nothing except your own understanding.
"""

import jax, jax.numpy as jnp
import numpy as np

B = 4
K = 3
V_LEVELS = [48, 192, 768, 3072, 12288, 49152]
DEG = 8


def _make_level(key, V):
    E = V * DEG
    k1, k2, k3 = jax.random.split(key, 3)
    src = jax.random.randint(k1, (E,), 0, V, dtype=jnp.int32)
    dst = jax.random.randint(k2, (E,), 0, V, dtype=jnp.int32)
    w = jax.random.uniform(k3, (E,), minval=0.1, maxval=1.0, dtype=jnp.float32)
    return src, dst, w


def setup_inputs(seed: int = 0):
    key = jax.random.key(seed)
    ks = jax.random.split(key, 32)
    inp = {}
    inp["x"] = jax.random.normal(ks[0], (B, V_LEVELS[5], 16), dtype=jnp.float32)
    for lvl in range(6):
        s, d, w = _make_level(ks[1 + lvl], V_LEVELS[lvl])
        inp["src%d" % lvl] = s
        inp["dst%d" % lvl] = d
        inp["wt%d" % lvl] = w
    def wmat(k, fin, fout):
        return jax.random.normal(k, (K * fin, fout), dtype=jnp.float32) * (1.0 / np.sqrt(K * fin))
    inp["W5a"] = wmat(ks[10], 16, 32); inp["g5a"] = jnp.ones((32,), jnp.float32); inp["b5a"] = jnp.zeros((32,), jnp.float32)
    inp["W5b"] = wmat(ks[11], 32, 64); inp["g5b"] = jnp.ones((64,), jnp.float32); inp["b5b"] = jnp.zeros((64,), jnp.float32)
    inp["W4"] = wmat(ks[12], 64, 128); inp["g4"] = jnp.ones((128,), jnp.float32); inp["b4"] = jnp.zeros((128,), jnp.float32)
    inp["W3"] = wmat(ks[13], 128, 256); inp["g3"] = jnp.ones((256,), jnp.float32); inp["b3"] = jnp.zeros((256,), jnp.float32)
    inp["W2"] = wmat(ks[14], 256, 512); inp["g2"] = jnp.ones((512,), jnp.float32); inp["b2"] = jnp.zeros((512,), jnp.float32)
    inp["W1"] = wmat(ks[15], 512, 512); inp["g1"] = jnp.ones((512,), jnp.float32); inp["b1"] = jnp.zeros((512,), jnp.float32)
    inp["W0"] = wmat(ks[16], 512, 512)
    return inp


def cheb_conv(x, src, dst, w, W):
    # Chebyshev graph conv with scaled normalized Laplacian L_tilde = (2/lmax)*L - I, lmax=2
    V = x.shape[1]
    deg = jnp.zeros((V,), x.dtype).at[dst].add(w) + 1e-6
    dis = 1.0 / jnp.sqrt(deg)
    nw = w * dis[src] * dis[dst]
    def matvec(y):
        g = y[:, src, :] * nw[None, :, None]          # gather over edges
        Ay = jnp.zeros_like(y).at[:, dst, :].add(g)    # scatter-add over edges
        Ly = y - Ay                                    # L = I - A_norm
        return Ly - y                                  # (2/lmax)*L - I with lmax=2
    xs = [x]
    if K > 1:
        xs.append(matvec(xs[0]))
        for _ in range(2, K):
            xs.append(2.0 * matvec(xs[-1]) - xs[-2])
    xt = jnp.concatenate(xs, axis=-1)                  # [B, V, K*Fin]
    return xt @ W


def bn_relu(x, g, b):
    m = jnp.mean(x, axis=(0, 1))
    v = jnp.var(x, axis=(0, 1))
    return jax.nn.relu((x - m) / jnp.sqrt(v + 1e-5) * g + b)


def pool(x):
    Bn, V, C = x.shape
    return x.reshape(Bn, V // 4, 4, C).mean(axis=2)


def _forward(x, src5, dst5, wt5, src4, dst4, wt4, src3, dst3, wt3, src2, dst2, wt2, src1, dst1, wt1, src0, dst0, wt0, W5a, g5a, b5a, W5b, g5b, b5b, W4, g4, b4, W3, g3, b3, W2, g2, b2, W1, g1, b1, W0):
    h = bn_relu(cheb_conv(x, src5, dst5, wt5, W5a), g5a, b5a)
    h5 = bn_relu(cheb_conv(h, src5, dst5, wt5, W5b), g5b, b5b)
    h4 = bn_relu(cheb_conv(pool(h5), src4, dst4, wt4, W4), g4, b4)
    h3 = bn_relu(cheb_conv(pool(h4), src3, dst3, wt3, W3), g3, b3)
    h2 = bn_relu(cheb_conv(pool(h3), src2, dst2, wt2, W2), g2, b2)
    h1 = bn_relu(cheb_conv(pool(h2), src1, dst1, wt1, W1), g1, b1)
    h0 = cheb_conv(pool(h1), src0, dst0, wt0, W0)
    return (h0, h1, h2, h3, h4)


def reference(x, src5, dst5, wt5, src4, dst4, wt4, src3, dst3, wt3, src2, dst2, wt2, src1, dst1, wt1, src0, dst0, wt0, W5a, g5a, b5a, W5b, g5b, b5b, W4, g4, b4, W3, g3, b3, W2, g2, b2, W1, g1, b1, W0):
    return _forward(x, src5, dst5, wt5, src4, dst4, wt4, src3, dst3, wt3, src2, dst2, wt2, src1, dst1, wt1, src0, dst0, wt0, W5a, g5a, b5a, W5b, g5b, b5b, W4, g4, b4, W3, g3, b3, W2, g2, b2, W1, g1, b1, W0)

if __name__ == "__main__":
    import jax
    _d = setup_inputs()
    print(jax.jit(kernel)(*tuple(_d.values())))

</pallas_src>

<mosaic_0001>
#map = affine_map<(d0, d1) -> (0)>
module attributes {stable_mosaic.version = 14 : i64} {
  func.func @k(%arg0: i32, %arg1: i32, %arg2: memref<384xi32, #tpu.memory_space<hbm>>, %arg3: memref<384xf32, #tpu.memory_space<hbm>>, %arg4: memref<98304xf32, #tpu.memory_space<hbm>>, %arg5: memref<49152xf32, #tpu.memory_space<vmem_shared>>, %arg6: memref<16xi32, #tpu.memory_space<vmem>>, %arg7: memref<16xf32, #tpu.memory_space<vmem>>, %arg8: memref<3072xf32, #tpu.memory_space<vmem>>) attributes {dimension_semantics = [#tpu.dimension_semantics<core_parallel>, #tpu.dimension_semantics<subcore_parallel>], iteration_bounds = array<i64: 2, 16>, scalar_prefetch = 0 : i64, scratch_operands = 4 : i64, tpu.core_type = #tpu.core_type<sc_vector_subcore>, window_params = [{transform_indices = #map}, {transform_indices = #map}, {transform_indices = #map}]} {
    %broadcast_in_dim3A = arith.constant 0.000000e+00 : f32
    %broadcast_in_dim3A_0 = vector.broadcast %broadcast_in_dim3A : f32 to vector<16xf32>
    %swap3A = arith.constant 0 : index
    %swap3A_1 = tpu.vector_load %arg8[%swap3A] {strides = array<i32>} : memref<3072xf32, #tpu.memory_space<vmem>>, vector<16xf32>,
    tpu.vector_store %arg8[%swap3A], %broadcast_in_dim3A_0 {strides = array<i32>} : memref<3072xf32, #tpu.memory_space<vmem>>, vector<16xf32>,
    %broadcast_in_dim3A_2 = arith.constant 0.000000e+00 : f32
    %broadcast_in_dim3A_3 = vector.broadcast %broadcast_in_dim3A_2 : f32 to vector<16xf32>
    %swap3A_4 = arith.constant 16 : index
    %swap3A_5 = tpu.vector_load %arg8[%swap3A_4] {strides = array<i32>} : memref<3072xf32, #tpu.memory_space<vmem>>, vector<16xf32>,
    tpu.vector_store %arg8[%swap3A_4], %broadcast_in_dim3A_3 {strides = array<i32>} : memref<3072xf32, #tpu.memory_space<vmem>>, vector<16xf32>,
    %broadcast_in_dim3A_6 = arith.constant 0.000000e+00 : f32
    %broadcast_in_dim3A_7 = vector.broadcast %broadcast_in_dim3A_6 : f32 to vector<16xf32>
    %swap3A_8 = arith.constant 32 : index
    %swap3A_9 = tpu.vector_load %arg8[%swap3A_8] {strides = array<i32>} : memref<3072xf32, #tpu.memory_space<vmem>>, vector<16xf32>,
    tpu.vector_store %arg8[%swap3A_8], %broadcast_in_dim3A_7 {strides = array<i32>} : memref<3072xf32, #tpu.memory_space<vmem>>, vector<16xf32>,
    %broadcast_in_dim3A_10 = arith.constant 0.000000e+00 : f32
    %broadcast_in_dim3A_11 = vector.broadcast %broadcast_in_dim3A_10 : f32 to vector<16xf32>
    %swap3A_12 = arith.constant 48 : index
    %swap3A_13 = tpu.vector_load %arg8[%swap3A_12] {strides = array<i32>} : memref<3072xf32, #tpu.memory_space<vmem>>, vector<16xf32>,
    tpu.vector_store %arg8[%swap3A_12], %broadcast_in_dim3A_11 {strides = array<i32>} : memref<3072xf32, #tpu.memory_space<vmem>>, vector<16xf32>,
    %broadcast_in_dim3A_14 = arith.constant 0.000000e+00 : f32
    %broadcast_in_dim3A_15 = vector.broadcast %broadcast_in_dim3A_14 : f32 to vector<16xf32>
    %swap3A_16 = arith.constant 64 : index
    %swap3A_17 = tpu.vector_load %arg8[%swap3A_16] {strides = array<i32>} : memref<3072xf32, #tpu.memory_space<vmem>>, vector<16xf32>,
    tpu.vector_store %arg8[%swap3A_16], %broadcast_in_dim3A_15 {strides = array<i32>} : memref<3072xf32, #tpu.memory_space<vmem>>, vector<16xf32>,
    %broadcast_in_dim3A_18 = arith.constant 0.000000e+00 : f32
    %broadcast_in_dim3A_19 = vector.broadcast %broadcast_in_dim3A_18 : f32 to vector<16xf32>
    %swap3A_20 = arith.constant 80 : index
    %swap3A_21 = tpu.vector_load %arg8[%swap3A_20] {strides = array<i32>} : memref<3072xf32, #tpu.memory_space<vmem>>, vector<16xf32>,
    tpu.vector_store %arg8[%swap3A_20], %broadcast_in_dim3A_19 {strides = array<i32>} : memref<3072xf32, #tpu.memory_space<vmem>>, vector<16xf32>,
    %broadcast_in_dim3A_22 = arith.constant 0.000000e+00 : f32
    %broadcast_in_dim3A_23 = vector.broadcast %broadcast_in_dim3A_22 : f32 to vector<16xf32>
    %swap3A_24 = arith.constant 96 : index
    %swap3A_25 = tpu.vector_load %arg8[%swap3A_24] {strides = array<i32>} : memref<3072xf32, #tpu.memory_space<vmem>>, vector<16xf32>,
    tpu.vector_store %arg8[%swap3A_24], %broadcast_in_dim3A_23 {strides = array<i32>} : memref<3072xf32, #tpu.memory_space<vmem>>, vector<16xf32>,
    %broadcast_in_dim3A_26 = arith.constant 0.000000e+00 : f32
    %broadcast_in_dim3A_27 = vector.broadcast %broadcast_in_dim3A_26 : f32 to vector<16xf32>
    %swap3A_28 = arith.constant 112 : index
    %swap3A_29 = tpu.vector_load %arg8[%swap3A_28] {strides = array<i32>} : memref<3072xf32, #tpu.memory_space<vmem>>, vector<16xf32>,
    tpu.vector_store %arg8[%swap3A_28], %broadcast_in_dim3A_27 {strides = array<i32>} : memref<3072xf32, #tpu.memory_space<vmem>>, vector<16xf32>,
    %broadcast_in_dim3A_30 = arith.constant 0.000000e+00 : f32
    %broadcast_in_dim3A_31 = vector.broadcast %broadcast_in_dim3A_30 : f32 to vector<16xf32>
    %swap3A_32 = arith.constant 128 : index
    %swap3A_33 = tpu.vector_load %arg8[%swap3A_32] {strides = array<i32>} : memref<3072xf32, #tpu.memory_space<vmem>>, vector<16xf32>,
    tpu.vector_store %arg8[%swap3A_32], %broadcast_in_dim3A_31 {strides = array<i32>} : memref<3072xf32, #tpu.memory_space<vmem>>, vector<16xf32>,
    %broadcast_in_dim3A_34 = arith.constant 0.000000e+00 : f32
    %broadcast_in_dim3A_35 = vector.broadcast %broadcast_in_dim3A_34 : f32 to vector<16xf32>
    %swap3A_36 = arith.constant 144 : index
    %swap3A_37 = tpu.vector_load %arg8[%swap3A_36] {strides = array<i32>} : memref<3072xf32, #tpu.memory_space<vmem>>, vector<16xf32>,
    tpu.vector_store %arg8[%swap3A_36], %broadcast_in_dim3A_35 {strides = array<i32>} : memref<3072xf32, #tpu.memory_space<vmem>>, vector<16xf32>,
    %broadcast_in_dim3A_38 = arith.constant 0.000000e+00 : f32
    %broadcast_in_dim3A_39 = vector.broadcast %broadcast_in_dim3A_38 : f32 to vector<16xf32>
    %swap3A_40 = arith.constant 160 : index
    %swap3A_41 = tpu.vector_load %arg8[%swap3A_40] {strides = array<i32>} : memref<3072xf32, #tpu.memory_space<vmem>>, vector<16xf32>,
    tpu.vector_store %arg8[%swap3A_40], %broadcast_in_dim3A_39 {strides = array<i32>} : memref<3072xf32, #tpu.memory_space<vmem>>, vector<16xf32>,
    %broadcast_in_dim3A_42 = arith.constant 0.000000e+00 : f32
    %broadcast_in_dim3A_43 = vector.broadcast %broadcast_in_dim3A_42 : f32 to vector<16xf32>
    %swap3A_44 = arith.constant 176 : index
    %swap3A_45 = tpu.vector_load %arg8[%swap3A_44] {strides = array<i32>} : memref<3072xf32, #tpu.memory_space<vmem>>, vector<16xf32>,
    tpu.vector_store %arg8[%swap3A_44], %broadcast_in_dim3A_43 {strides = array<i32>} : memref<3072xf32, #tpu.memory_space<vmem>>, vector<16xf32>,
    %broadcast_in_dim3A_46 = arith.constant 0.000000e+00 : f32
    %broadcast_in_dim3A_47 = vector.broadcast %broadcast_in_dim3A_46 : f32 to vector<16xf32>
    %swap3A_48 = arith.constant 192 : index
    %swap3A_49 = tpu.vector_load %arg8[%swap3A_48] {strides = array<i32>} : memref<3072xf32, #tpu.memory_space<vmem>>, vector<16xf32>,
    tpu.vector_store %arg8[%swap3A_48], %broadcast_in_dim3A_47 {strides = array<i32>} : memref<3072xf32, #tpu.memory_space<vmem>>, vector<16xf32>,
    %broadcast_in_dim3A_50 = arith.constant 0.000000e+00 : f32
    %broadcast_in_dim3A_51 = vector.broadcast %broadcast_in_dim3A_50 : f32 to vector<16xf32>
    %swap3A_52 = arith.constant 208 : index
    %swap3A_53 = tpu.vector_load %arg8[%swap3A_52] {strides = array<i32>} : memref<3072xf32, #tpu.memory_space<vmem>>, vector<16xf32>,
    tpu.vector_store %arg8[%swap3A_52], %broadcast_in_dim3A_51 {strides = array<i32>} : memref<3072xf32, #tpu.memory_space<vmem>>, vector<16xf32>,
    %broadcast_in_dim3A_54 = arith.constant 0.000000e+00 : f32
    %broadcast_in_dim3A_55 = vector.broadcast %broadcast_in_dim3A_54 : f32 to vector<16xf32>
    %swap3A_56 = arith.constant 224 : index
    %swap3A_57 = tpu.vector_load %arg8[%swap3A_56] {strides = array<i32>} : memref<3072xf32, #tpu.memory_space<vmem>>, vector<16xf32>,
    tpu.vector_store %arg8[%swap3A_56], %broadcast_in_dim3A_55 {strides = array<i32>} : memref<3072xf32, #tpu.memory_space<vmem>>, vector<16xf32>,
    %broadcast_in_dim3A_58 = arith.constant 0.000000e+00 : f32
    %broadcast_in_dim3A_59 = vector.broadcast %broadcast_in_dim3A_58 : f32 to vector<16xf32>
    %swap3A_60 = arith.constant 240 : index
    %swap3A_61 = tpu.vector_load %arg8[%swap3A_60] {strides = array<i32>} : memref<3072xf32, #tpu.memory_space<vmem>>, vector<16xf32>,
    tpu.vector_store %arg8[%swap3A_60], %broadcast_in_dim3A_59 {strides = array<i32>} : memref<3072xf32, #tpu.memory_space<vmem>>, vector<16xf32>,
    %broadcast_in_dim3A_62 = arith.constant 0.000000e+00 : f32
    %broadcast_in_dim3A_63 = vector.broadcast %broadcast_in_dim3A_62 : f32 to vector<16xf32>
    %swap3A_64 = arith.constant 256 : index
    %swap3A_65 = tpu.vector_load %arg8[%swap3A_64] {strides = array<i32>} : memref<3072xf32, #tpu.memory_space<vmem>>, vector<16xf32>,
    tpu.vector_store %arg8[%swap3A_64], %broadcast_in_dim3A_63 {strides = array<i32>} : memref<3072xf32, #tpu.memory_space<vmem>>, vector<16xf32>,
    %broadcast_in_dim3A_66 = arith.constant 0.000000e+00 : f32
    %broadcast_in_dim3A_67 = vector.broadcast %broadcast_in_dim3A_66 : f32 to vector<16xf32>
    %swap3A_68 = arith.constant 272 : index
    %swap3A_69 = tpu.vector_load %arg8[%swap3A_68] {strides = array<i32>} : memref<3072xf32, #tpu.memory_space<vmem>>, vector<16xf32>,
    tpu.vector_store %arg8[%swap3A_68], %broadcast_in_dim3A_67 {strides = array<i32>} : memref<3072xf32, #tpu.memory_space<vmem>>, vector<16xf32>,
    %broadcast_in_dim3A_70 = arith.constant 0.000000e+00 : f32
    %broadcast_in_dim3A_71 = vector.broadcast %broadcast_in_dim3A_70 : f32 to vector<16xf32>
    %swap3A_72 = arith.constant 288 : index
    %swap3A_73 = tpu.vector_load %arg8[%swap3A_72] {strides = array<i32>} : memref<3072xf32, #tpu.memory_space<vmem>>, vector<16xf32>,
    tpu.vector_store %arg8[%swap3A_72], %broadcast_in_dim3A_71 {strides = array<i32>} : memref<3072xf32, #tpu.memory_space<vmem>>, vector<16xf32>,
    %broadcast_in_dim3A_74 = arith.constant 0.000000e+00 : f32
    %broadcast_in_dim3A_75 = vector.broadcast %broadcast_in_dim3A_74 : f32 to vector<16xf32>
    %swap3A_76 = arith.constant 304 : index
    %swap3A_77 = tpu.vector_load %arg8[%swap3A_76] {strides = array<i32>} : memref<3072xf32, #tpu.memory_space<vmem>>, vector<16xf32>,
    tpu.vector_store %arg8[%swap3A_76], %broadcast_in_dim3A_75 {strides = array<i32>} : memref<3072xf32, #tpu.memory_space<vmem>>, vector<16xf32>,
    %broadcast_in_dim3A_78 = arith.constant 0.000000e+00 : f32
    %broadcast_in_dim3A_79 = vector.broadcast %broadcast_in_dim3A_78 : f32 to vector<16xf32>
    %swap3A_80 = arith.constant 320 : index
    %swap3A_81 = tpu.vector_load %arg8[%swap3A_80] {strides = array<i32>} : memref<3072xf32, #tpu.memory_space<vmem>>, vector<16xf32>,
    tpu.vector_store %arg8[%swap3A_80], %broadcast_in_dim3A_79 {strides = array<i32>} : memref<3072xf32, #tpu.memory_space<vmem>>, vector<16xf32>,
    %broadcast_in_dim3A_82 = arith.constant 0.000000e+00 : f32
    %broadcast_in_dim3A_83 = vector.broadcast %broadcast_in_dim3A_82 : f32 to vector<16xf32>
    %swap3A_84 = arith.constant 336 : index
    %swap3A_85 = tpu.vector_load %arg8[%swap3A_84] {strides = array<i32>} : memref<3072xf32, #tpu.memory_space<vmem>>, vector<16xf32>,
    tpu.vector_store %arg8[%swap3A_84], %broadcast_in_dim3A_83 {strides = array<i32>} : memref<3072xf32, #tpu.memory_space<vmem>>, vector<16xf32>,
    %broadcast_in_dim3A_86 = arith.constant 0.000000e+00 : f32
    %broadcast_in_dim3A_87 = vector.broadcast %broadcast_in_dim3A_86 : f32 to vector<16xf32>
    %swap3A_88 = arith.constant 352 : index
    %swap3A_89 = tpu.vector_load %arg8[%swap3A_88] {strides = array<i32>} : memref<3072xf32, #tpu.memory_space<vmem>>, vector<16xf32>,
    tpu.vector_store %arg8[%swap3A_88], %broadcast_in_dim3A_87 {strides = array<i32>} : memref<3072xf32, #tpu.memory_space<vmem>>, vector<16xf32>,
    %broadcast_in_dim3A_90 = arith.constant 0.000000e+00 : f32
    %broadcast_in_dim3A_91 = vector.broadcast %broadcast_in_dim3A_90 : f32 to vector<16xf32>
    %swap3A_92 = arith.constant 368 : index
    %swap3A_93 = tpu.vector_load %arg8[%swap3A_92] {strides = array<i32>} : memref<3072xf32, #tpu.memory_space<vmem>>, vector<16xf32>,
    tpu.vector_store %arg8[%swap3A_92], %broadcast_in_dim3A_91 {strides = array<i32>} : memref<3072xf32, #tpu.memory_space<vmem>>, vector<16xf32>,
    %broadcast_in_dim3A_94 = arith.constant 0.000000e+00 : f32
    %broadcast_in_dim3A_95 = vector.broadcast %broadcast_in_dim3A_94 : f32 to vector<16xf32>
    %swap3A_96 = arith.constant 384 : index
    %swap3A_97 = tpu.vector_load %arg8[%swap3A_96] {strides = array<i32>} : memref<3072xf32, #tpu.memory_space<vmem>>, vector<16xf32>,
    tpu.vector_store %arg8[%swap3A_96], %broadcast_in_dim3A_95 {strides = array<i32>} : memref<3072xf32, #tpu.memory_space<vmem>>, vector<16xf32>,
    %broadcast_in_dim3A_98 = arith.constant 0.000000e+00 : f32
    %broadcast_in_dim3A_99 = vector.broadcast %broadcast_in_dim3A_98 : f32 to vector<16xf32>
    %swap3A_100 = arith.constant 400 : index
    %swap3A_101 = tpu.vector_load %arg8[%swap3A_100] {strides = array<i32>} : memref<3072xf32, #tpu.memory_space<vmem>>, vector<16xf32>,
    tpu.vector_store %arg8[%swap3A_100], %broadcast_in_dim3A_99 {strides = array<i32>} : memref<3072xf32, #tpu.memory_space<vmem>>, vector<16xf32>,
    %broadcast_in_dim3A_102 = arith.constant 0.000000e+00 : f32
    %broadcast_in_dim3A_103 = vector.broadcast %broadcast_in_dim3A_102 : f32 to vector<16xf32>
    %swap3A_104 = arith.constant 416 : index
    %swap3A_105 = tpu.vector_load %arg8[%swap3A_104] {strides = array<i32>} : memref<3072xf32, #tpu.memory_space<vmem>>, vector<16xf32>,
    tpu.vector_store %arg8[%swap3A_104], %broadcast_in_dim3A_103 {strides = array<i32>} : memref<3072xf32, #tpu.memory_space<vmem>>, vector<16xf32>,
    %broadcast_in_dim3A_106 = arith.constant 0.000000e+00 : f32
    %broadcast_in_dim3A_107 = vector.broadcast %broadcast_in_dim3A_106 : f32 to vector<16xf32>
    %swap3A_108 = arith.constant 432 : index
    %swap3A_109 = tpu.vector_load %arg8[%swap3A_108] {strides = array<i32>} : memref<3072xf32, #tpu.memory_space<vmem>>, vector<16xf32>,
    tpu.vector_store %arg8[%swap3A_108], %broadcast_in_dim3A_107 {strides = array<i32>} : memref<3072xf32, #tpu.memory_space<vmem>>, vector<16xf32>,
    %broadcast_in_dim3A_110 = arith.constant 0.000000e+00 : f32
    %broadcast_in_dim3A_111 = vector.broadcast %broadcast_in_dim3A_110 : f32 to vector<16xf32>
    %swap3A_112 = arith.constant 448 : index
    %swap3A_113 = tpu.vector_load %arg8[%swap3A_112] {strides = array<i32>} : memref<3072xf32, #tpu.memory_space<vmem>>, vector<16xf32>,
    tpu.vector_store %arg8[%swap3A_112], %broadcast_in_dim3A_111 {strides = array<i32>} : memref<3072xf32, #tpu.memory_space<vmem>>, vector<16xf32>,
    %broadcast_in_dim3A_114 = arith.constant 0.000000e+00 : f32
    %broadcast_in_dim3A_115 = vector.broadcast %broadcast_in_dim3A_114 : f32 to vector<16xf32>
    %swap3A_116 = arith.constant 464 : index
    %swap3A_117 = tpu.vector_load %arg8[%swap3A_116] {strides = array<i32>} : memref<3072xf32, #tpu.memory_space<vmem>>, vector<16xf32>,
    tpu.vector_store %arg8[%swap3A_116], %broadcast_in_dim3A_115 {strides = array<i32>} : memref<3072xf32, #tpu.memory_space<vmem>>, vector<16xf32>,
    %broadcast_in_dim3A_118 = arith.constant 0.000000e+00 : f32
    %broadcast_in_dim3A_119 = vector.broadcast %broadcast_in_dim3A_118 : f32 to vector<16xf32>
    %swap3A_120 = arith.constant 480 : index
    %swap3A_121 = tpu.vector_load %arg8[%swap3A_120] {strides = array<i32>} : memref<3072xf32, #tpu.memory_space<vmem>>, vector<16xf32>,
    tpu.vector_store %arg8[%swap3A_120], %broadcast_in_dim3A_119 {strides = array<i32>} : memref<3072xf32, #tpu.memory_space<vmem>>, vector<16xf32>,
    %broadcast_in_dim3A_122 = arith.constant 0.000000e+00 : f32
    %broadcast_in_dim3A_123 = vector.broadcast %broadcast_in_dim3A_122 : f32 to vector<16xf32>
    %swap3A_124 = arith.constant 496 : index
    %swap3A_125 = tpu.vector_load %arg8[%swap3A_124] {strides = array<i32>} : memref<3072xf32, #tpu.memory_space<vmem>>, vector<16xf32>,
    tpu.vector_store %arg8[%swap3A_124], %broadcast_in_dim3A_123 {strides = array<i32>} : memref<3072xf32, #tpu.memory_space<vmem>>, vector<16xf32>,
    %broadcast_in_dim3A_126 = arith.constant 0.000000e+00 : f32
    %broadcast_in_dim3A_127 = vector.broadcast %broadcast_in_dim3A_126 : f32 to vector<16xf32>
    %swap3A_128 = arith.constant 512 : index
    %swap3A_129 = tpu.vector_load %arg8[%swap3A_128] {strides = array<i32>} : memref<3072xf32, #tpu.memory_space<vmem>>, vector<16xf32>,
    tpu.vector_store %arg8[%swap3A_128], %broadcast_in_dim3A_127 {strides = array<i32>} : memref<3072xf32, #tpu.memory_space<vmem>>, vector<16xf32>,
    %broadcast_in_dim3A_130 = arith.constant 0.000000e+00 : f32
    %broadcast_in_dim3A_131 = vector.broadcast %broadcast_in_dim3A_130 : f32 to vector<16xf32>
    %swap3A_132 = arith.constant 528 : index
    %swap3A_133 = tpu.vector_load %arg8[%swap3A_132] {strides = array<i32>} : memref<3072xf32, #tpu.memory_space<vmem>>, vector<16xf32>,
    tpu.vector_store %arg8[%swap3A_132], %broadcast_in_dim3A_131 {strides = array<i32>} : memref<3072xf32, #tpu.memory_space<vmem>>, vector<16xf32>,
    %broadcast_in_dim3A_134 = arith.constant 0.000000e+00 : f32
    %broadcast_in_dim3A_135 = vector.broadcast %broadcast_in_dim3A_134 : f32 to vector<16xf32>
    %swap3A_136 = arith.constant 544 : index
    %swap3A_137 = tpu.vector_load %arg8[%swap3A_136] {strides = array<i32>} : memref<3072xf32, #tpu.memory_space<vmem>>, vector<16xf32>,
    tpu.vector_store %arg8[%swap3A_136], %broadcast_in_dim3A_135 {strides = array<i32>} : memref<3072xf32, #tpu.memory_space<vmem>>, vector<16xf32>,
    %broadcast_in_dim3A_138 = arith.constant 0.000000e+00 : f32
    %broadcast_in_dim3A_139 = vector.broadcast %broadcast_in_dim3A_138 : f32 to vector<16xf32>
    %swap3A_140 = arith.constant 560 : index
    %swap3A_141 = tpu.vector_load %arg8[%swap3A_140] {strides = array<i32>} : memref<3072xf32, #tpu.memory_space<vmem>>, vector<16xf32>,
    tpu.vector_store %arg8[%swap3A_140], %broadcast_in_dim3A_139 {strides = array<i32>} : memref<3072xf32, #tpu.memory_space<vmem>>, vector<16xf32>,
    %broadcast_in_dim3A_142 = arith.constant 0.000000e+00 : f32
    %broadcast_in_dim3A_143 = vector.broadcast %broadcast_in_dim3A_142 : f32 to vector<16xf32>
    %swap3A_144 = arith.constant 576 : index
    %swap3A_145 = tpu.vector_load %arg8[%swap3A_144] {strides = array<i32>} : memref<3072xf32, #tpu.memory_space<vmem>>, vector<16xf32>,
    tpu.vector_store %arg8[%swap3A_144], %broadcast_in_dim3A_143 {strides = array<i32>} : memref<3072xf32, #tpu.memory_space<vmem>>, vector<16xf32>,
    %broadcast_in_dim3A_146 = arith.constant 0.000000e+00 : f32
    %broadcast_in_dim3A_147 = vector.broadcast %broadcast_in_dim3A_146 : f32 to vector<16xf32>
    %swap3A_148 = arith.constant 592 : index
    %swap3A_149 = tpu.vector_load %arg8[%swap3A_148] {strides = array<i32>} : memref<3072xf32, #tpu.memory_space<vmem>>, vector<16xf32>,
    tpu.vector_store %arg8[%swap3A_148], %broadcast_in_dim3A_147 {strides = array<i32>} : memref<3072xf32, #tpu.memory_space<vmem>>, vector<16xf32>,
    %broadcast_in_dim3A_150 = arith.constant 0.000000e+00 : f32
    %broadcast_in_dim3A_151 = vector.broadcast %broadcast_in_dim3A_150 : f32 to vector<16xf32>
    %swap3A_152 = arith.constant 608 : index
    %swap3A_153 = tpu.vector_load %arg8[%swap3A_152] {strides = array<i32>} : memref<3072xf32, #tpu.memory_space<vmem>>, vector<16xf32>,
    tpu.vector_store %arg8[%swap3A_152], %broadcast_in_dim3A_151 {strides = array<i32>} : memref<3072xf32, #tpu.memory_space<vmem>>, vector<16xf32>,
    %broadcast_in_dim3A_154 = arith.constant 0.000000e+00 : f32
    %broadcast_in_dim3A_155 = vector.broadcast %broadcast_in_dim3A_154 : f32 to vector<16xf32>
    %swap3A_156 = arith.constant 624 : index
    %swap3A_157 = tpu.vector_load %arg8[%swap3A_156] {strides = array<i32>} : memref<3072xf32, #tpu.memory_space<vmem>>, vector<16xf32>,
    tpu.vector_store %arg8[%swap3A_156], %broadcast_in_dim3A_155 {strides = array<i32>} : memref<3072xf32, #tpu.memory_space<vmem>>, vector<16xf32>,
    %broadcast_in_dim3A_158 = arith.constant 0.000000e+00 : f32
    %broadcast_in_dim3A_159 = vector.broadcast %broadcast_in_dim3A_158 : f32 to vector<16xf32>
    %swap3A_160 = arith.constant 640 : index
    %swap3A_161 = tpu.vector_load %arg8[%swap3A_160] {strides = array<i32>} : memref<3072xf32, #tpu.memory_space<vmem>>, vector<16xf32>,
    tpu.vector_store %arg8[%swap3A_160], %broadcast_in_dim3A_159 {strides = array<i32>} : memref<3072xf32, #tpu.memory_space<vmem>>, vector<16xf32>,
    %broadcast_in_dim3A_162 = arith.constant 0.000000e+00 : f32
    %broadcast_in_dim3A_163 = vector.broadcast %broadcast_in_dim3A_162 : f32 to vector<16xf32>
    %swap3A_164 = arith.constant 656 : index
    %swap3A_165 = tpu.vector_load %arg8[%swap3A_164] {strides = array<i32>} : memref<3072xf32, #tpu.memory_space<vmem>>, vector<16xf32>,
    tpu.vector_store %arg8[%swap3A_164], %broadcast_in_dim3A_163 {strides = array<i32>} : memref<3072xf32, #tpu.memory_space<vmem>>, vector<16xf32>,
    %broadcast_in_dim3A_166 = arith.constant 0.000000e+00 : f32
    %broadcast_in_dim3A_167 = vector.broadcast %broadcast_in_dim3A_166 : f32 to vector<16xf32>
    %swap3A_168 = arith.constant 672 : index
    %swap3A_169 = tpu.vector_load %arg8[%swap3A_168] {strides = array<i32>} : memref<3072xf32, #tpu.memory_space<vmem>>, vector<16xf32>,
    tpu.vector_store %arg8[%swap3A_168], %broadcast_in_dim3A_167 {strides = array<i32>} : memref<3072xf32, #tpu.memory_space<vmem>>, vector<16xf32>,
    %broadcast_in_dim3A_170 = arith.constant 0.000000e+00 : f32
    %broadcast_in_dim3A_171 = vector.broadcast %broadcast_in_dim3A_170 : f32 to vector<16xf32>
    %swap3A_172 = arith.constant 688 : index
    %swap3A_173 = tpu.vector_load %arg8[%swap3A_172] {strides = array<i32>} : memref<3072xf32, #tpu.memory_space<vmem>>, vector<16xf32>,
    tpu.vector_store %arg8[%swap3A_172], %broadcast_in_dim3A_171 {strides = array<i32>} : memref<3072xf32, #tpu.memory_space<vmem>>, vector<16xf32>,
    %broadcast_in_dim3A_174 = arith.constant 0.000000e+00 : f32
    %broadcast_in_dim3A_175 = vector.broadcast %broadcast_in_dim3A_174 : f32 to vector<16xf32>
    %swap3A_176 = arith.constant 704 : index
    %swap3A_177 = tpu.vector_load %arg8[%swap3A_176] {strides = array<i32>} : memref<3072xf32, #tpu.memory_space<vmem>>, vector<16xf32>,
    tpu.vector_store %arg8[%swap3A_176], %broadcast_in_dim3A_175 {strides = array<i32>} : memref<3072xf32, #tpu.memory_space<vmem>>, vector<16xf32>,
    %broadcast_in_dim3A_178 = arith.constant 0.000000e+00 : f32
    %broadcast_in_dim3A_179 = vector.broadcast %broadcast_in_dim3A_178 : f32 to vector<16xf32>
    %swap3A_180 = arith.constant 720 : index
    %swap3A_181 = tpu.vector_load %arg8[%swap3A_180] {strides = array<i32>} : memref<3072xf32, #tpu.memory_space<vmem>>, vector<16xf32>,
    tpu.vector_store %arg8[%swap3A_180], %broadcast_in_dim3A_179 {strides = array<i32>} : memref<3072xf32, #tpu.memory_space<vmem>>, vector<16xf32>,
    %broadcast_in_dim3A_182 = arith.constant 0.000000e+00 : f32
    %broadcast_in_dim3A_183 = vector.broadcast %broadcast_in_dim3A_182 : f32 to vector<16xf32>
    %swap3A_184 = arith.constant 736 : index
    %swap3A_185 = tpu.vector_load %arg8[%swap3A_184] {strides = array<i32>} : memref<3072xf32, #tpu.memory_space<vmem>>, vector<16xf32>,
    tpu.vector_store %arg8[%swap3A_184], %broadcast_in_dim3A_183 {strides = array<i32>} : memref<3072xf32, #tpu.memory_space<vmem>>, vector<16xf32>,
    %broadcast_in_dim3A_186 = arith.constant 0.000000e+00 : f32
    %broadcast_in_dim3A_187 = vector.broadcast %broadcast_in_dim3A_186 : f32 to vector<16xf32>
    %swap3A_188 = arith.constant 752 : index
    %swap3A_189 = tpu.vector_load %arg8[%swap3A_188] {strides = array<i32>} : memref<3072xf32, #tpu.memory_space<vmem>>, vector<16xf32>,
    tpu.vector_store %arg8[%swap3A_188], %broadcast_in_dim3A_187 {strides = array<i32>} : memref<3072xf32, #tpu.memory_space<vmem>>, vector<16xf32>,
    %broadcast_in_dim3A_190 = arith.constant 0.000000e+00 : f32
    %broadcast_in_dim3A_191 = vector.broadcast %broadcast_in_dim3A_190 : f32 to vector<16xf32>
    %swap3A_192 = arith.constant 768 : index
    %swap3A_193 = tpu.vector_load %arg8[%swap3A_192] {strides = array<i32>} : memref<3072xf32, #tpu.memory_space<vmem>>, vector<16xf32>,
    tpu.vector_store %arg8[%swap3A_192], %broadcast_in_dim3A_191 {strides = array<i32>} : memref<3072xf32, #tpu.memory_space<vmem>>, vector<16xf32>,
    %broadcast_in_dim3A_194 = arith.constant 0.000000e+00 : f32
    %broadcast_in_dim3A_195 = vector.broadcast %broadcast_in_dim3A_194 : f32 to vector<16xf32>
    %swap3A_196 = arith.constant 784 : index
    %swap3A_197 = tpu.vector_load %arg8[%swap3A_196] {strides = array<i32>} : memref<3072xf32, #tpu.memory_space<vmem>>, vector<16xf32>,
    tpu.vector_store %arg8[%swap3A_196], %broadcast_in_dim3A_195 {strides = array<i32>} : memref<3072xf32, #tpu.memory_space<vmem>>, vector<16xf32>,
    %broadcast_in_dim3A_198 = arith.constant 0.000000e+00 : f32
    %broadcast_in_dim3A_199 = vector.broadcast %broadcast_in_dim3A_198 : f32 to vector<16xf32>
    %swap3A_200 = arith.constant 800 : index
    %swap3A_201 = tpu.vector_load %arg8[%swap3A_200] {strides = array<i32>} : memref<3072xf32, #tpu.memory_space<vmem>>, vector<16xf32>,
    tpu.vector_store %arg8[%swap3A_200], %broadcast_in_dim3A_199 {strides = array<i32>} : memref<3072xf32, #tpu.memory_space<vmem>>, vector<16xf32>,
    %broadcast_in_dim3A_202 = arith.constant 0.000000e+00 : f32
    %broadcast_in_dim3A_203 = vector.broadcast %broadcast_in_dim3A_202 : f32 to vector<16xf32>
    %swap3A_204 = arith.constant 816 : index
    %swap3A_205 = tpu.vector_load %arg8[%swap3A_204] {strides = array<i32>} : memref<3072xf32, #tpu.memory_space<vmem>>, vector<16xf32>,
    tpu.vector_store %arg8[%swap3A_204], %broadcast_in_dim3A_203 {strides = array<i32>} : memref<3072xf32, #tpu.memory_space<vmem>>, vector<16xf32>,
    %broadcast_in_dim3A_206 = arith.constant 0.000000e+00 : f32
    %broadcast_in_dim3A_207 = vector.broadcast %broadcast_in_dim3A_206 : f32 to vector<16xf32>
    %swap3A_208 = arith.constant 832 : index
    %swap3A_209 = tpu.vector_load %arg8[%swap3A_208] {strides = array<i32>} : memref<3072xf32, #tpu.memory_space<vmem>>, vector<16xf32>,
    tpu.vector_store %arg8[%swap3A_208], %broadcast_in_dim3A_207 {strides = array<i32>} : memref<3072xf32, #tpu.memory_space<vmem>>, vector<16xf32>,
    %broadcast_in_dim3A_210 = arith.constant 0.000000e+00 : f32
    %broadcast_in_dim3A_211 = vector.broadcast %broadcast_in_dim3A_210 : f32 to vector<16xf32>
    %swap3A_212 = arith.constant 848 : index
    %swap3A_213 = tpu.vector_load %arg8[%swap3A_212] {strides = array<i32>} : memref<3072xf32, #tpu.memory_space<vmem>>, vector<16xf32>,
    tpu.vector_store %arg8[%swap3A_212], %broadcast_in_dim3A_211 {strides = array<i32>} : memref<3072xf32, #tpu.memory_space<vmem>>, vector<16xf32>,
    %broadcast_in_dim3A_214 = arith.constant 0.000000e+00 : f32
    %broadcast_in_dim3A_215 = vector.broadcast %broadcast_in_dim3A_214 : f32 to vector<16xf32>
    %swap3A_216 = arith.constant 864 : index
    %swap3A_217 = tpu.vector_load %arg8[%swap3A_216] {strides = array<i32>} : memref<3072xf32, #tpu.memory_space<vmem>>, vector<16xf32>,
    tpu.vector_store %arg8[%swap3A_216], %broadcast_in_dim3A_215 {strides = array<i32>} : memref<3072xf32, #tpu.memory_space<vmem>>, vector<16xf32>,
    %broadcast_in_dim3A_218 = arith.constant 0.000000e+00 : f32
    %broadcast_in_dim3A_219 = vector.broadcast %broadcast_in_dim3A_218 : f32 to vector<16xf32>
    %swap3A_220 = arith.constant 880 : index
    %swap3A_221 = tpu.vector_load %arg8[%swap3A_220] {strides = array<i32>} : memref<3072xf32, #tpu.memory_space<vmem>>, vector<16xf32>,
    tpu.vector_store %arg8[%swap3A_220], %broadcast_in_dim3A_219 {strides = array<i32>} : memref<3072xf32, #tpu.memory_space<vmem>>, vector<16xf32>,
    %broadcast_in_dim3A_222 = arith.constant 0.000000e+00 : f32
    %broadcast_in_dim3A_223 = vector.broadcast %broadcast_in_dim3A_222 : f32 to vector<16xf32>
    %swap3A_224 = arith.constant 896 : index
    %swap3A_225 = tpu.vector_load %arg8[%swap3A_224] {strides = array<i32>} : memref<3072xf32, #tpu.memory_space<vmem>>, vector<16xf32>,
    tpu.vector_store %arg8[%swap3A_224], %broadcast_in_dim3A_223 {strides = array<i32>} : memref<3072xf32, #tpu.memory_space<vmem>>, vector<16xf32>,
    %broadcast_in_dim3A_226 = arith.constant 0.000000e+00 : f32
    %broadcast_in_dim3A_227 = vector.broadcast %broadcast_in_dim3A_226 : f32 to vector<16xf32>
    %swap3A_228 = arith.constant 912 : index
    %swap3A_229 = tpu.vector_load %arg8[%swap3A_228] {strides = array<i32>} : memref<3072xf32, #tpu.memory_space<vmem>>, vector<16xf32>,
    tpu.vector_store %arg8[%swap3A_228], %broadcast_in_dim3A_227 {strides = array<i32>} : memref<3072xf32, #tpu.memory_space<vmem>>, vector<16xf32>,
    %broadcast_in_dim3A_230 = arith.constant 0.000000e+00 : f32
    %broadcast_in_dim3A_231 = vector.broadcast %broadcast_in_dim3A_230 : f32 to vector<16xf32>
    %swap3A_232 = arith.constant 928 : index
    %swap3A_233 = tpu.vector_load %arg8[%swap3A_232] {strides = array<i32>} : memref<3072xf32, #tpu.memory_space<vmem>>, vector<16xf32>,
    tpu.vector_store %arg8[%swap3A_232], %broadcast_in_dim3A_231 {strides = array<i32>} : memref<3072xf32, #tpu.memory_space<vmem>>, vector<16xf32>,
    %broadcast_in_dim3A_234 = arith.constant 0.000000e+00 : f32
    %broadcast_in_dim3A_235 = vector.broadcast %broadcast_in_dim3A_234 : f32 to vector<16xf32>
    %swap3A_236 = arith.constant 944 : index
    %swap3A_237 = tpu.vector_load %arg8[%swap3A_236] {strides = array<i32>} : memref<3072xf32, #tpu.memory_space<vmem>>, vector<16xf32>,
    tpu.vector_store %arg8[%swap3A_236], %broadcast_in_dim3A_235 {strides = array<i32>} : memref<3072xf32, #tpu.memory_space<vmem>>, vector<16xf32>,
    %broadcast_in_dim3A_238 = arith.constant 0.000000e+00 : f32
    %broadcast_in_dim3A_239 = vector.broadcast %broadcast_in_dim3A_238 : f32 to vector<16xf32>
    %swap3A_240 = arith.constant 960 : index
    %swap3A_241 = tpu.vector_load %arg8[%swap3A_240] {strides = array<i32>} : memref<3072xf32, #tpu.memory_space<vmem>>, vector<16xf32>,
    tpu.vector_store %arg8[%swap3A_240], %broadcast_in_dim3A_239 {strides = array<i32>} : memref<3072xf32, #tpu.memory_space<vmem>>, vector<16xf32>,
    %broadcast_in_dim3A_242 = arith.constant 0.000000e+00 : f32
    %broadcast_in_dim3A_243 = vector.broadcast %broadcast_in_dim3A_242 : f32 to vector<16xf32>
    %swap3A_244 = arith.constant 976 : index
    %swap3A_245 = tpu.vector_load %arg8[%swap3A_244] {strides = array<i32>} : memref<3072xf32, #tpu.memory_space<vmem>>, vector<16xf32>,
    tpu.vector_store %arg8[%swap3A_244], %broadcast_in_dim3A_243 {strides = array<i32>} : memref<3072xf32, #tpu.memory_space<vmem>>, vector<16xf32>,
    %broadcast_in_dim3A_246 = arith.constant 0.000000e+00 : f32
    %broadcast_in_dim3A_247 = vector.broadcast %broadcast_in_dim3A_246 : f32 to vector<16xf32>
    %swap3A_248 = arith.constant 992 : index
    %swap3A_249 = tpu.vector_load %arg8[%swap3A_248] {strides = array<i32>} : memref<3072xf32, #tpu.memory_space<vmem>>, vector<16xf32>,
    tpu.vector_store %arg8[%swap3A_248], %broadcast_in_dim3A_247 {strides = array<i32>} : memref<3072xf32, #tpu.memory_space<vmem>>, vector<16xf32>,
    %broadcast_in_dim3A_250 = arith.constant 0.000000e+00 : f32
    %broadcast_in_dim3A_251 = vector.broadcast %broadcast_in_dim3A_250 : f32 to vector<16xf32>
    %swap3A_252 = arith.constant 1008 : index
    %swap3A_253 = tpu.vector_load %arg8[%swap3A_252] {strides = array<i32>} : memref<3072xf32, #tpu.memory_space<vmem>>, vector<16xf32>,
    tpu.vector_store %arg8[%swap3A_252], %broadcast_in_dim3A_251 {strides = array<i32>} : memref<3072xf32, #tpu.memory_space<vmem>>, vector<16xf32>,
    %broadcast_in_dim3A_254 = arith.constant 0.000000e+00 : f32
    %broadcast_in_dim3A_255 = vector.broadcast %broadcast_in_dim3A_254 : f32 to vector<16xf32>
    %swap3A_256 = arith.constant 1024 : index
    %swap3A_257 = tpu.vector_load %arg8[%swap3A_256] {strides = array<i32>} : memref<3072xf32, #tpu.memory_space<vmem>>, vector<16xf32>,
    tpu.vector_store %arg8[%swap3A_256], %broadcast_in_dim3A_255 {strides = array<i32>} : memref<3072xf32, #tpu.memory_space<vmem>>, vector<16xf32>,
    %broadcast_in_dim3A_258 = arith.constant 0.000000e+00 : f32
    %broadcast_in_dim3A_259 = vector.broadcast %broadcast_in_dim3A_258 : f32 to vector<16xf32>
    %swap3A_260 = arith.constant 1040 : index
    %swap3A_261 = tpu.vector_load %arg8[%swap3A_260] {strides = array<i32>} : memref<3072xf32, #tpu.memory_space<vmem>>, vector<16xf32>,
    tpu.vector_store %arg8[%swap3A_260], %broadcast_in_dim3A_259 {strides = array<i32>} : memref<3072xf32, #tpu.memory_space<vmem>>, vector<16xf32>,
    %broadcast_in_dim3A_262 = arith.constant 0.000000e+00 : f32
    %broadcast_in_dim3A_263 = vector.broadcast %broadcast_in_dim3A_262 : f32 to vector<16xf32>
    %swap3A_264 = arith.constant 1056 : index
    %swap3A_265 = tpu.vector_load %arg8[%swap3A_264] {strides = array<i32>} : memref<3072xf32, #tpu.memory_space<vmem>>, vector<16xf32>,
    tpu.vector_store %arg8[%swap3A_264], %broadcast_in_dim3A_263 {strides = array<i32>} : memref<3072xf32, #tpu.memory_space<vmem>>, vector<16xf32>,
    %broadcast_in_dim3A_266 = arith.constant 0.000000e+00 : f32
    %broadcast_in_dim3A_267 = vector.broadcast %broadcast_in_dim3A_266 : f32 to vector<16xf32>
    %swap3A_268 = arith.constant 1072 : index
    %swap3A_269 = tpu.vector_load %arg8[%swap3A_268] {strides = array<i32>} : memref<3072xf32, #tpu.memory_space<vmem>>, vector<16xf32>,
    tpu.vector_store %arg8[%swap3A_268], %broadcast_in_dim3A_267 {strides = array<i32>} : memref<3072xf32, #tpu.memory_space<vmem>>, vector<16xf32>,
    %broadcast_in_dim3A_270 = arith.constant 0.000000e+00 : f32
    %broadcast_in_dim3A_271 = vector.broadcast %broadcast_in_dim3A_270 : f32 to vector<16xf32>
    %swap3A_272 = arith.constant 1088 : index
    %swap3A_273 = tpu.vector_load %arg8[%swap3A_272] {strides = array<i32>} : memref<3072xf32, #tpu.memory_space<vmem>>, vector<16xf32>,
    tpu.vector_store %arg8[%swap3A_272], %broadcast_in_dim3A_271 {strides = array<i32>} : memref<3072xf32, #tpu.memory_space<vmem>>, vector<16xf32>,
    %broadcast_in_dim3A_274 = arith.constant 0.000000e+00 : f32
    %broadcast_in_dim3A_275 = vector.broadcast %broadcast_in_dim3A_274 : f32 to vector<16xf32>
    %swap3A_276 = arith.constant 1104 : index
    %swap3A_277 = tpu.vector_load %arg8[%swap3A_276] {strides = array<i32>} : memref<3072xf32, #tpu.memory_space<vmem>>, vector<16xf32>,
    tpu.vector_store %arg8[%swap3A_276], %broadcast_in_dim3A_275 {strides = array<i32>} : memref<3072xf32, #tpu.memory_space<vmem>>, vector<16xf32>,
    %broadcast_in_dim3A_278 = arith.constant 0.000000e+00 : f32
    %broadcast_in_dim3A_279 = vector.broadcast %broadcast_in_dim3A_278 : f32 to vector<16xf32>
    %swap3A_280 = arith.constant 1120 : index
    %swap3A_281 = tpu.vector_load %arg8[%swap3A_280] {strides = array<i32>} : memref<3072xf32, #tpu.memory_space<vmem>>, vector<16xf32>,
    tpu.vector_store %arg8[%swap3A_280], %broadcast_in_dim3A_279 {strides = array<i32>} : memref<3072xf32, #tpu.memory_space<vmem>>, vector<16xf32>,
    %broadcast_in_dim3A_282 = arith.constant 0.000000e+00 : f32
    %broadcast_in_dim3A_283 = vector.broadcast %broadcast_in_dim3A_282 : f32 to vector<16xf32>
    %swap3A_284 = arith.constant 1136 : index
    %swap3A_285 = tpu.vector_load %arg8[%swap3A_284] {strides = array<i32>} : memref<3072xf32, #tpu.memory_space<vmem>>, vector<16xf32>,
    tpu.vector_store %arg8[%swap3A_284], %broadcast_in_dim3A_283 {strides = array<i32>} : memref<3072xf32, #tpu.memory_space<vmem>>, vector<16xf32>,
    %broadcast_in_dim3A_286 = arith.constant 0.000000e+00 : f32
    %broadcast_in_dim3A_287 = vector.broadcast %broadcast_in_dim3A_286 : f32 to vector<16xf32>
    %swap3A_288 = arith.constant 1152 : index
    %swap3A_289 = tpu.vector_load %arg8[%swap3A_288] {strides = array<i32>} : memref<3072xf32, #tpu.memory_space<vmem>>, vector<16xf32>,
    tpu.vector_store %arg8[%swap3A_288], %broadcast_in_dim3A_287 {strides = array<i32>} : memref<3072xf32, #tpu.memory_space<vmem>>, vector<16xf32>,
    %broadcast_in_dim3A_290 = arith.constant 0.000000e+00 : f32
    %broadcast_in_dim3A_291 = vector.broadcast %broadcast_in_dim3A_290 : f32 to vector<16xf32>
    %swap3A_292 = arith.constant 1168 : index
    %swap3A_293 = tpu.vector_load %arg8[%swap3A_292] {strides = array<i32>} : memref<3072xf32, #tpu.memory_space<vmem>>, vector<16xf32>,
    tpu.vector_store %arg8[%swap3A_292], %broadcast_in_dim3A_291 {strides = array<i32>} : memref<3072xf32, #tpu.memory_space<vmem>>, vector<16xf32>,
    %broadcast_in_dim3A_294 = arith.constant 0.000000e+00 : f32
    %broadcast_in_dim3A_295 = vector.broadcast %broadcast_in_dim3A_294 : f32 to vector<16xf32>
    %swap3A_296 = arith.constant 1184 : index
    %swap3A_297 = tpu.vector_load %arg8[%swap3A_296] {strides = array<i32>} : memref<3072xf32, #tpu.memory_space<vmem>>, vector<16xf32>,
    tpu.vector_store %arg8[%swap3A_296], %broadcast_in_dim3A_295 {strides = array<i32>} : memref<3072xf32, #tpu.memory_space<vmem>>, vector<16xf32>,
    %broadcast_in_dim3A_298 = arith.constant 0.000000e+00 : f32
    %broadcast_in_dim3A_299 = vector.broadcast %broadcast_in_dim3A_298 : f32 to vector<16xf32>
    %swap3A_300 = arith.constant 1200 : index
    %swap3A_301 = tpu.vector_load %arg8[%swap3A_300] {strides = array<i32>} : memref<3072xf32, #tpu.memory_space<vmem>>, vector<16xf32>,
    tpu.vector_store %arg8[%swap3A_300], %broadcast_in_dim3A_299 {strides = array<i32>} : memref<3072xf32, #tpu.memory_space<vmem>>, vector<16xf32>,
    %broadcast_in_dim3A_302 = arith.constant 0.000000e+00 : f32
    %broadcast_in_dim3A_303 = vector.broadcast %broadcast_in_dim3A_302 : f32 to vector<16xf32>
    %swap3A_304 = arith.constant 1216 : index
    %swap3A_305 = tpu.vector_load %arg8[%swap3A_304] {strides = array<i32>} : memref<3072xf32, #tpu.memory_space<vmem>>, vector<16xf32>,
    tpu.vector_store %arg8[%swap3A_304], %broadcast_in_dim3A_303 {strides = array<i32>} : memref<3072xf32, #tpu.memory_space<vmem>>, vector<16xf32>,
    %broadcast_in_dim3A_306 = arith.constant 0.000000e+00 : f32
    %broadcast_in_dim3A_307 = vector.broadcast %broadcast_in_dim3A_306 : f32 to vector<16xf32>
    %swap3A_308 = arith.constant 1232 : index
    %swap3A_309 = tpu.vector_load %arg8[%swap3A_308] {strides = array<i32>} : memref<3072xf32, #tpu.memory_space<vmem>>, vector<16xf32>,
    tpu.vector_store %arg8[%swap3A_308], %broadcast_in_dim3A_307 {strides = array<i32>} : memref<3072xf32, #tpu.memory_space<vmem>>, vector<16xf32>,
    %broadcast_in_dim3A_310 = arith.constant 0.000000e+00 : f32
    %broadcast_in_dim3A_311 = vector.broadcast %broadcast_in_dim3A_310 : f32 to vector<16xf32>
    %swap3A_312 = arith.constant 1248 : index
    %swap3A_313 = tpu.vector_load %arg8[%swap3A_312] {strides = array<i32>} : memref<3072xf32, #tpu.memory_space<vmem>>, vector<16xf32>,
    tpu.vector_store %arg8[%swap3A_312], %broadcast_in_dim3A_311 {strides = array<i32>} : memref<3072xf32, #tpu.memory_space<vmem>>, vector<16xf32>,
    %broadcast_in_dim3A_314 = arith.constant 0.000000e+00 : f32
    %broadcast_in_dim3A_315 = vector.broadcast %broadcast_in_dim3A_314 : f32 to vector<16xf32>
    %swap3A_316 = arith.constant 1264 : index
    %swap3A_317 = tpu.vector_load %arg8[%swap3A_316] {strides = array<i32>} : memref<3072xf32, #tpu.memory_space<vmem>>, vector<16xf32>,
    tpu.vector_store %arg8[%swap3A_316], %broadcast_in_dim3A_315 {strides = array<i32>} : memref<3072xf32, #tpu.memory_space<vmem>>, vector<16xf32>,
    %broadcast_in_dim3A_318 = arith.constant 0.000000e+00 : f32
    %broadcast_in_dim3A_319 = vector.broadcast %broadcast_in_dim3A_318 : f32 to vector<16xf32>
    %swap3A_320 = arith.constant 1280 : index
    %swap3A_321 = tpu.vector_load %arg8[%swap3A_320] {strides = array<i32>} : memref<3072xf32, #tpu.memory_space<vmem>>, vector<16xf32>,
    tpu.vector_store %arg8[%swap3A_320], %broadcast_in_dim3A_319 {strides = array<i32>} : memref<3072xf32, #tpu.memory_space<vmem>>, vector<16xf32>,
    %broadcast_in_dim3A_322 = arith.constant 0.000000e+00 : f32
    %broadcast_in_dim3A_323 = vector.broadcast %broadcast_in_dim3A_322 : f32 to vector<16xf32>
    %swap3A_324 = arith.constant 1296 : index
    %swap3A_325 = tpu.vector_load %arg8[%swap3A_324] {strides = array<i32>} : memref<3072xf32, #tpu.memory_space<vmem>>, vector<16xf32>,
    tpu.vector_store %arg8[%swap3A_324], %broadcast_in_dim3A_323 {strides = array<i32>} : memref<3072xf32, #tpu.memory_space<vmem>>, vector<16xf32>,
    %broadcast_in_dim3A_326 = arith.constant 0.000000e+00 : f32
    %broadcast_in_dim3A_327 = vector.broadcast %broadcast_in_dim3A_326 : f32 to vector<16xf32>
    %swap3A_328 = arith.constant 1312 : index
    %swap3A_329 = tpu.vector_load %arg8[%swap3A_328] {strides = array<i32>} : memref<3072xf32, #tpu.memory_space<vmem>>, vector<16xf32>,
    tpu.vector_store %arg8[%swap3A_328], %broadcast_in_dim3A_327 {strides = array<i32>} : memref<3072xf32, #tpu.memory_space<vmem>>, vector<16xf32>,
    %broadcast_in_dim3A_330 = arith.constant 0.000000e+00 : f32
    %broadcast_in_dim3A_331 = vector.broadcast %broadcast_in_dim3A_330 : f32 to vector<16xf32>
    %swap3A_332 = arith.constant 1328 : index
    %swap3A_333 = tpu.vector_load %arg8[%swap3A_332] {strides = array<i32>} : memref<3072xf32, #tpu.memory_space<vmem>>, vector<16xf32>,
    tpu.vector_store %arg8[%swap3A_332], %broadcast_in_dim3A_331 {strides = array<i32>} : memref<3072xf32, #tpu.memory_space<vmem>>, vector<16xf32>,
    %broadcast_in_dim3A_334 = arith.constant 0.000000e+00 : f32
    %broadcast_in_dim3A_335 = vector.broadcast %broadcast_in_dim3A_334 : f32 to vector<16xf32>
    %swap3A_336 = arith.constant 1344 : index
    %swap3A_337 = tpu.vector_load %arg8[%swap3A_336] {strides = array<i32>} : memref<3072xf32, #tpu.memory_space<vmem>>, vector<16xf32>,
    tpu.vector_store %arg8[%swap3A_336], %broadcast_in_dim3A_335 {strides = array<i32>} : memref<3072xf32, #tpu.memory_space<vmem>>, vector<16xf32>,
    %broadcast_in_dim3A_338 = arith.constant 0.000000e+00 : f32
    %broadcast_in_dim3A_339 = vector.broadcast %broadcast_in_dim3A_338 : f32 to vector<16xf32>
    %swap3A_340 = arith.constant 1360 : index
    %swap3A_341 = tpu.vector_load %arg8[%swap3A_340] {strides = array<i32>} : memref<3072xf32, #tpu.memory_space<vmem>>, vector<16xf32>,
    tpu.vector_store %arg8[%swap3A_340], %broadcast_in_dim3A_339 {strides = array<i32>} : memref<3072xf32, #tpu.memory_space<vmem>>, vector<16xf32>,
    %broadcast_in_dim3A_342 = arith.constant 0.000000e+00 : f32
    %broadcast_in_dim3A_343 = vector.broadcast %broadcast_in_dim3A_342 : f32 to vector<16xf32>
    %swap3A_344 = arith.constant 1376 : index
    %swap3A_345 = tpu.vector_load %arg8[%swap3A_344] {strides = array<i32>} : memref<3072xf32, #tpu.memory_space<vmem>>, vector<16xf32>,
    tpu.vector_store %arg8[%swap3A_344], %broadcast_in_dim3A_343 {strides = array<i32>} : memref<3072xf32, #tpu.memory_space<vmem>>, vector<16xf32>,
    %broadcast_in_dim3A_346 = arith.constant 0.000000e+00 : f32
    %broadcast_in_dim3A_347 = vector.broadcast %broadcast_in_dim3A_346 : f32 to vector<16xf32>
    %swap3A_348 = arith.constant 1392 : index
    %swap3A_349 = tpu.vector_load %arg8[%swap3A_348] {strides = array<i32>} : memref<3072xf32, #tpu.memory_space<vmem>>, vector<16xf32>,
    tpu.vector_store %arg8[%swap3A_348], %broadcast_in_dim3A_347 {strides = array<i32>} : memref<3072xf32, #tpu.memory_space<vmem>>, vector<16xf32>,
    %broadcast_in_dim3A_350 = arith.constant 0.000000e+00 : f32
    %broadcast_in_dim3A_351 = vector.broadcast %broadcast_in_dim3A_350 : f32 to vector<16xf32>
    %swap3A_352 = arith.constant 1408 : index
    %swap3A_353 = tpu.vector_load %arg8[%swap3A_352] {strides = array<i32>} : memref<3072xf32, #tpu.memory_space<vmem>>, vector<16xf32>,
    tpu.vector_store %arg8[%swap3A_352], %broadcast_in_dim3A_351 {strides = array<i32>} : memref<3072xf32, #tpu.memory_space<vmem>>, vector<16xf32>,
    %broadcast_in_dim3A_354 = arith.constant 0.000000e+00 : f32
    %broadcast_in_dim3A_355 = vector.broadcast %broadcast_in_dim3A_354 : f32 to vector<16xf32>
    %swap3A_356 = arith.constant 1424 : index
    %swap3A_357 = tpu.vector_load %arg8[%swap3A_356] {strides = array<i32>} : memref<3072xf32, #tpu.memory_space<vmem>>, vector<16xf32>,
    tpu.vector_store %arg8[%swap3A_356], %broadcast_in_dim3A_355 {strides = array<i32>} : memref<3072xf32, #tpu.memory_space<vmem>>, vector<16xf32>,
    %broadcast_in_dim3A_358 = arith.constant 0.000000e+00 : f32
    %broadcast_in_dim3A_359 = vector.broadcast %broadcast_in_dim3A_358 : f32 to vector<16xf32>
    %swap3A_360 = arith.constant 1440 : index
    %swap3A_361 = tpu.vector_load %arg8[%swap3A_360] {strides = array<i32>} : memref<3072xf32, #tpu.memory_space<vmem>>, vector<16xf32>,
    tpu.vector_store %arg8[%swap3A_360], %broadcast_in_dim3A_359 {strides = array<i32>} : memref<3072xf32, #tpu.memory_space<vmem>>, vector<16xf32>,
    %broadcast_in_dim3A_362 = arith.constant 0.000000e+00 : f32
    %broadcast_in_dim3A_363 = vector.broadcast %broadcast_in_dim3A_362 : f32 to vector<16xf32>
    %swap3A_364 = arith.constant 1456 : index
    %swap3A_365 = tpu.vector_load %arg8[%swap3A_364] {strides = array<i32>} : memref<3072xf32, #tpu.memory_space<vmem>>, vector<16xf32>,
    tpu.vector_store %arg8[%swap3A_364], %broadcast_in_dim3A_363 {strides = array<i32>} : memref<3072xf32, #tpu.memory_space<vmem>>, vector<16xf32>,
    %broadcast_in_dim3A_366 = arith.constant 0.000000e+00 : f32
    %broadcast_in_dim3A_367 = vector.broadcast %broadcast_in_dim3A_366 : f32 to vector<16xf32>
    %swap3A_368 = arith.constant 1472 : index
    %swap3A_369 = tpu.vector_load %arg8[%swap3A_368] {strides = array<i32>} : memref<3072xf32, #tpu.memory_space<vmem>>, vector<16xf32>,
    tpu.vector_store %arg8[%swap3A_368], %broadcast_in_dim3A_367 {strides = array<i32>} : memref<3072xf32, #tpu.memory_space<vmem>>, vector<16xf32>,
    %broadcast_in_dim3A_370 = arith.constant 0.000000e+00 : f32
    %broadcast_in_dim3A_371 = vector.broadcast %broadcast_in_dim3A_370 : f32 to vector<16xf32>
    %swap3A_372 = arith.constant 1488 : index
    %swap3A_373 = tpu.vector_load %arg8[%swap3A_372] {strides = array<i32>} : memref<3072xf32, #tpu.memory_space<vmem>>, vector<16xf32>,
    tpu.vector_store %arg8[%swap3A_372], %broadcast_in_dim3A_371 {strides = array<i32>} : memref<3072xf32, #tpu.memory_space<vmem>>, vector<16xf32>,
    %broadcast_in_dim3A_374 = arith.constant 0.000000e+00 : f32
    %broadcast_in_dim3A_375 = vector.broadcast %broadcast_in_dim3A_374 : f32 to vector<16xf32>
    %swap3A_376 = arith.constant 1504 : index
    %swap3A_377 = tpu.vector_load %arg8[%swap3A_376] {strides = array<i32>} : memref<3072xf32, #tpu.memory_space<vmem>>, vector<16xf32>,
    tpu.vector_store %arg8[%swap3A_376], %broadcast_in_dim3A_375 {strides = array<i32>} : memref<3072xf32, #tpu.memory_space<vmem>>, vector<16xf32>,
    %broadcast_in_dim3A_378 = arith.constant 0.000000e+00 : f32
    %broadcast_in_dim3A_379 = vector.broadcast %broadcast_in_dim3A_378 : f32 to vector<16xf32>
    %swap3A_380 = arith.constant 1520 : index
    %swap3A_381 = tpu.vector_load %arg8[%swap3A_380] {strides = array<i32>} : memref<3072xf32, #tpu.memory_space<vmem>>, vector<16xf32>,
    tpu.vector_store %arg8[%swap3A_380], %broadcast_in_dim3A_379 {strides = array<i32>} : memref<3072xf32, #tpu.memory_space<vmem>>, vector<16xf32>,
    %broadcast_in_dim3A_382 = arith.constant 0.000000e+00 : f32
    %broadcast_in_dim3A_383 = vector.broadcast %broadcast_in_dim3A_382 : f32 to vector<16xf32>
    %swap3A_384 = arith.constant 1536 : index
    %swap3A_385 = tpu.vector_load %arg8[%swap3A_384] {strides = array<i32>} : memref<3072xf32, #tpu.memory_space<vmem>>, vector<16xf32>,
    tpu.vector_store %arg8[%swap3A_384], %broadcast_in_dim3A_383 {strides = array<i32>} : memref<3072xf32, #tpu.memory_space<vmem>>, vector<16xf32>,
    %broadcast_in_dim3A_386 = arith.constant 0.000000e+00 : f32
    %broadcast_in_dim3A_387 = vector.broadcast %broadcast_in_dim3A_386 : f32 to vector<16xf32>
    %swap3A_388 = arith.constant 1552 : index
    %swap3A_389 = tpu.vector_load %arg8[%swap3A_388] {strides = array<i32>} : memref<3072xf32, #tpu.memory_space<vmem>>, vector<16xf32>,
    tpu.vector_store %arg8[%swap3A_388], %broadcast_in_dim3A_387 {strides = array<i32>} : memref<3072xf32, #tpu.memory_space<vmem>>, vector<16xf32>,
    %broadcast_in_dim3A_390 = arith.constant 0.000000e+00 : f32
    %broadcast_in_dim3A_391 = vector.broadcast %broadcast_in_dim3A_390 : f32 to vector<16xf32>
    %swap3A_392 = arith.constant 1568 : index
    %swap3A_393 = tpu.vector_load %arg8[%swap3A_392] {strides = array<i32>} : memref<3072xf32, #tpu.memory_space<vmem>>, vector<16xf32>,
    tpu.vector_store %arg8[%swap3A_392], %broadcast_in_dim3A_391 {strides = array<i32>} : memref<3072xf32, #tpu.memory_space<vmem>>, vector<16xf32>,
    %broadcast_in_dim3A_394 = arith.constant 0.000000e+00 : f32
    %broadcast_in_dim3A_395 = vector.broadcast %broadcast_in_dim3A_394 : f32 to vector<16xf32>
    %swap3A_396 = arith.constant 1584 : index
    %swap3A_397 = tpu.vector_load %arg8[%swap3A_396] {strides = array<i32>} : memref<3072xf32, #tpu.memory_space<vmem>>, vector<16xf32>,
    tpu.vector_store %arg8[%swap3A_396], %broadcast_in_dim3A_395 {strides = array<i32>} : memref<3072xf32, #tpu.memory_space<vmem>>, vector<16xf32>,
    %broadcast_in_dim3A_398 = arith.constant 0.000000e+00 : f32
    %broadcast_in_dim3A_399 = vector.broadcast %broadcast_in_dim3A_398 : f32 to vector<16xf32>
    %swap3A_400 = arith.constant 1600 : index
    %swap3A_401 = tpu.vector_load %arg8[%swap3A_400] {strides = array<i32>} : memref<3072xf32, #tpu.memory_space<vmem>>, vector<16xf32>,
    tpu.vector_store %arg8[%swap3A_400], %broadcast_in_dim3A_399 {strides = array<i32>} : memref<3072xf32, #tpu.memory_space<vmem>>, vector<16xf32>,
    %broadcast_in_dim3A_402 = arith.constant 0.000000e+00 : f32
    %broadcast_in_dim3A_403 = vector.broadcast %broadcast_in_dim3A_402 : f32 to vector<16xf32>
    %swap3A_404 = arith.constant 1616 : index
    %swap3A_405 = tpu.vector_load %arg8[%swap3A_404] {strides = array<i32>} : memref<3072xf32, #tpu.memory_space<vmem>>, vector<16xf32>,
    tpu.vector_store %arg8[%swap3A_404], %broadcast_in_dim3A_403 {strides = array<i32>} : memref<3072xf32, #tpu.memory_space<vmem>>, vector<16xf32>,
    %broadcast_in_dim3A_406 = arith.constant 0.000000e+00 : f32
    %broadcast_in_dim3A_407 = vector.broadcast %broadcast_in_dim3A_406 : f32 to vector<16xf32>
    %swap3A_408 = arith.constant 1632 : index
    %swap3A_409 = tpu.vector_load %arg8[%swap3A_408] {strides = array<i32>} : memref<3072xf32, #tpu.memory_space<vmem>>, vector<16xf32>,
    tpu.vector_store %arg8[%swap3A_408], %broadcast_in_dim3A_407 {strides = array<i32>} : memref<3072xf32, #tpu.memory_space<vmem>>, vector<16xf32>,
    %broadcast_in_dim3A_410 = arith.constant 0.000000e+00 : f32
    %broadcast_in_dim3A_411 = vector.broadcast %broadcast_in_dim3A_410 : f32 to vector<16xf32>
    %swap3A_412 = arith.constant 1648 : index
    %swap3A_413 = tpu.vector_load %arg8[%swap3A_412] {strides = array<i32>} : memref<3072xf32, #tpu.memory_space<vmem>>, vector<16xf32>,
    tpu.vector_store %arg8[%swap3A_412], %broadcast_in_dim3A_411 {strides = array<i32>} : memref<3072xf32, #tpu.memory_space<vmem>>, vector<16xf32>,
    %broadcast_in_dim3A_414 = arith.constant 0.000000e+00 : f32
    %broadcast_in_dim3A_415 = vector.broadcast %broadcast_in_dim3A_414 : f32 to vector<16xf32>
    %swap3A_416 = arith.constant 1664 : index
    %swap3A_417 = tpu.vector_load %arg8[%swap3A_416] {strides = array<i32>} : memref<3072xf32, #tpu.memory_space<vmem>>, vector<16xf32>,
    tpu.vector_store %arg8[%swap3A_416], %broadcast_in_dim3A_415 {strides = array<i32>} : memref<3072xf32, #tpu.memory_space<vmem>>, vector<16xf32>,
    %broadcast_in_dim3A_418 = arith.constant 0.000000e+00 : f32
    %broadcast_in_dim3A_419 = vector.broadcast %broadcast_in_dim3A_418 : f32 to vector<16xf32>
    %swap3A_420 = arith.constant 1680 : index
    %swap3A_421 = tpu.vector_load %arg8[%swap3A_420] {strides = array<i32>} : memref<3072xf32, #tpu.memory_space<vmem>>, vector<16xf32>,
    tpu.vector_store %arg8[%swap3A_420], %broadcast_in_dim3A_419 {strides = array<i32>} : memref<3072xf32, #tpu.memory_space<vmem>>, vector<16xf32>,
    %broadcast_in_dim3A_422 = arith.constant 0.000000e+00 : f32
    %broadcast_in_dim3A_423 = vector.broadcast %broadcast_in_dim3A_422 : f32 to vector<16xf32>
    %swap3A_424 = arith.constant 1696 : index
    %swap3A_425 = tpu.vector_load %arg8[%swap3A_424] {strides = array<i32>} : memref<3072xf32, #tpu.memory_space<vmem>>, vector<16xf32>,
    tpu.vector_store %arg8[%swap3A_424], %broadcast_in_dim3A_423 {strides = array<i32>} : memref<3072xf32, #tpu.memory_space<vmem>>, vector<16xf32>,
    %broadcast_in_dim3A_426 = arith.constant 0.000000e+00 : f32
    %broadcast_in_dim3A_427 = vector.broadcast %broadcast_in_dim3A_426 : f32 to vector<16xf32>
    %swap3A_428 = arith.constant 1712 : index
    %swap3A_429 = tpu.vector_load %arg8[%swap3A_428] {strides = array<i32>} : memref<3072xf32, #tpu.memory_space<vmem>>, vector<16xf32>,
    tpu.vector_store %arg8[%swap3A_428], %broadcast_in_dim3A_427 {strides = array<i32>} : memref<3072xf32, #tpu.memory_space<vmem>>, vector<16xf32>,
    %broadcast_in_dim3A_430 = arith.constant 0.000000e+00 : f32
    %broadcast_in_dim3A_431 = vector.broadcast %broadcast_in_dim3A_430 : f32 to vector<16xf32>
    %swap3A_432 = arith.constant 1728 : index
    %swap3A_433 = tpu.vector_load %arg8[%swap3A_432] {strides = array<i32>} : memref<3072xf32, #tpu.memory_space<vmem>>, vector<16xf32>,
    tpu.vector_store %arg8[%swap3A_432], %broadcast_in_dim3A_431 {strides = array<i32>} : memref<3072xf32, #tpu.memory_space<vmem>>, vector<16xf32>,
    %broadcast_in_dim3A_434 = arith.constant 0.000000e+00 : f32
    %broadcast_in_dim3A_435 = vector.broadcast %broadcast_in_dim3A_434 : f32 to vector<16xf32>
    %swap3A_436 = arith.constant 1744 : index
    %swap3A_437 = tpu.vector_load %arg8[%swap3A_436] {strides = array<i32>} : memref<3072xf32, #tpu.memory_space<vmem>>, vector<16xf32>,
    tpu.vector_store %arg8[%swap3A_436], %broadcast_in_dim3A_435 {strides = array<i32>} : memref<3072xf32, #tpu.memory_space<vmem>>, vector<16xf32>,
    %broadcast_in_dim3A_438 = arith.constant 0.000000e+00 : f32
    %broadcast_in_dim3A_439 = vector.broadcast %broadcast_in_dim3A_438 : f32 to vector<16xf32>
    %swap3A_440 = arith.constant 1760 : index
    %swap3A_441 = tpu.vector_load %arg8[%swap3A_440] {strides = array<i32>} : memref<3072xf32, #tpu.memory_space<vmem>>, vector<16xf32>,
    tpu.vector_store %arg8[%swap3A_440], %broadcast_in_dim3A_439 {strides = array<i32>} : memref<3072xf32, #tpu.memory_space<vmem>>, vector<16xf32>,
    %broadcast_in_dim3A_442 = arith.constant 0.000000e+00 : f32
    %broadcast_in_dim3A_443 = vector.broadcast %broadcast_in_dim3A_442 : f32 to vector<16xf32>
    %swap3A_444 = arith.constant 1776 : index
    %swap3A_445 = tpu.vector_load %arg8[%swap3A_444] {strides = array<i32>} : memref<3072xf32, #tpu.memory_space<vmem>>, vector<16xf32>,
    tpu.vector_store %arg8[%swap3A_444], %broadcast_in_dim3A_443 {strides = array<i32>} : memref<3072xf32, #tpu.memory_space<vmem>>, vector<16xf32>,
    %broadcast_in_dim3A_446 = arith.constant 0.000000e+00 : f32
    %broadcast_in_dim3A_447 = vector.broadcast %broadcast_in_dim3A_446 : f32 to vector<16xf32>
    %swap3A_448 = arith.constant 1792 : index
    %swap3A_449 = tpu.vector_load %arg8[%swap3A_448] {strides = array<i32>} : memref<3072xf32, #tpu.memory_space<vmem>>, vector<16xf32>,
    tpu.vector_store %arg8[%swap3A_448], %broadcast_in_dim3A_447 {strides = array<i32>} : memref<3072xf32, #tpu.memory_space<vmem>>, vector<16xf32>,
    %broadcast_in_dim3A_450 = arith.constant 0.000000e+00 : f32
    %broadcast_in_dim3A_451 = vector.broadcast %broadcast_in_dim3A_450 : f32 to vector<16xf32>
    %swap3A_452 = arith.constant 1808 : index
    %swap3A_453 = tpu.vector_load %arg8[%swap3A_452] {strides = array<i32>} : memref<3072xf32, #tpu.memory_space<vmem>>, vector<16xf32>,
    tpu.vector_store %arg8[%swap3A_452], %broadcast_in_dim3A_451 {strides = array<i32>} : memref<3072xf32, #tpu.memory_space<vmem>>, vector<16xf32>,
    %broadcast_in_dim3A_454 = arith.constant 0.000000e+00 : f32
    %broadcast_in_dim3A_455 = vector.broadcast %broadcast_in_dim3A_454 : f32 to vector<16xf32>
    %swap3A_456 = arith.constant 1824 : index
    %swap3A_457 = tpu.vector_load %arg8[%swap3A_456] {strides = array<i32>} : memref<3072xf32, #tpu.memory_space<vmem>>, vector<16xf32>,
    tpu.vector_store %arg8[%swap3A_456], %broadcast_in_dim3A_455 {strides = array<i32>} : memref<3072xf32, #tpu.memory_space<vmem>>, vector<16xf32>,
    %broadcast_in_dim3A_458 = arith.constant 0.000000e+00 : f32
    %broadcast_in_dim3A_459 = vector.broadcast %broadcast_in_dim3A_458 : f32 to vector<16xf32>
    %swap3A_460 = arith.constant 1840 : index
    %swap3A_461 = tpu.vector_load %arg8[%swap3A_460] {strides = array<i32>} : memref<3072xf32, #tpu.memory_space<vmem>>, vector<16xf32>,
    tpu.vector_store %arg8[%swap3A_460], %broadcast_in_dim3A_459 {strides = array<i32>} : memref<3072xf32, #tpu.memory_space<vmem>>, vector<16xf32>,
    %broadcast_in_dim3A_462 = arith.constant 0.000000e+00 : f32
    %broadcast_in_dim3A_463 = vector.broadcast %broadcast_in_dim3A_462 : f32 to vector<16xf32>
    %swap3A_464 = arith.constant 1856 : index
    %swap3A_465 = tpu.vector_load %arg8[%swap3A_464] {strides = array<i32>} : memref<3072xf32, #tpu.memory_space<vmem>>, vector<16xf32>,
    tpu.vector_store %arg8[%swap3A_464], %broadcast_in_dim3A_463 {strides = array<i32>} : memref<3072xf32, #tpu.memory_space<vmem>>, vector<16xf32>,
    %broadcast_in_dim3A_466 = arith.constant 0.000000e+00 : f32
    %broadcast_in_dim3A_467 = vector.broadcast %broadcast_in_dim3A_466 : f32 to vector<16xf32>
    %swap3A_468 = arith.constant 1872 : index
    %swap3A_469 = tpu.vector_load %arg8[%swap3A_468] {strides = array<i32>} : memref<3072xf32, #tpu.memory_space<vmem>>, vector<16xf32>,
    tpu.vector_store %arg8[%swap3A_468], %broadcast_in_dim3A_467 {strides = array<i32>} : memref<3072xf32, #tpu.memory_space<vmem>>, vector<16xf32>,
    %broadcast_in_dim3A_470 = arith.constant 0.000000e+00 : f32
    %broadcast_in_dim3A_471 = vector.broadcast %broadcast_in_dim3A_470 : f32 to vector<16xf32>
    %swap3A_472 = arith.constant 1888 : index
    %swap3A_473 = tpu.vector_load %arg8[%swap3A_472] {strides = array<i32>} : memref<3072xf32, #tpu.memory_space<vmem>>, vector<16xf32>,
    tpu.vector_store %arg8[%swap3A_472], %broadcast_in_dim3A_471 {strides = array<i32>} : memref<3072xf32, #tpu.memory_space<vmem>>, vector<16xf32>,
    %broadcast_in_dim3A_474 = arith.constant 0.000000e+00 : f32
    %broadcast_in_dim3A_475 = vector.broadcast %broadcast_in_dim3A_474 : f32 to vector<16xf32>
    %swap3A_476 = arith.constant 1904 : index
    %swap3A_477 = tpu.vector_load %arg8[%swap3A_476] {strides = array<i32>} : memref<3072xf32, #tpu.memory_space<vmem>>, vector<16xf32>,
    tpu.vector_store %arg8[%swap3A_476], %broadcast_in_dim3A_475 {strides = array<i32>} : memref<3072xf32, #tpu.memory_space<vmem>>, vector<16xf32>,
    %broadcast_in_dim3A_478 = arith.constant 0.000000e+00 : f32
    %broadcast_in_dim3A_479 = vector.broadcast %broadcast_in_dim3A_478 : f32 to vector<16xf32>
    %swap3A_480 = arith.constant 1920 : index
    %swap3A_481 = tpu.vector_load %arg8[%swap3A_480] {strides = array<i32>} : memref<3072xf32, #tpu.memory_space<vmem>>, vector<16xf32>,
    tpu.vector_store %arg8[%swap3A_480], %broadcast_in_dim3A_479 {strides = array<i32>} : memref<3072xf32, #tpu.memory_space<vmem>>, vector<16xf32>,
    %broadcast_in_dim3A_482 = arith.constant 0.000000e+00 : f32
    %broadcast_in_dim3A_483 = vector.broadcast %broadcast_in_dim3A_482 : f32 to vector<16xf32>
    %swap3A_484 = arith.constant 1936 : index
    %swap3A_485 = tpu.vector_load %arg8[%swap3A_484] {strides = array<i32>} : memref<3072xf32, #tpu.memory_space<vmem>>, vector<16xf32>,
    tpu.vector_store %arg8[%swap3A_484], %broadcast_in_dim3A_483 {strides = array<i32>} : memref<3072xf32, #tpu.memory_space<vmem>>, vector<16xf32>,
    %broadcast_in_dim3A_486 = arith.constant 0.000000e+00 : f32
    %broadcast_in_dim3A_487 = vector.broadcast %broadcast_in_dim3A_486 : f32 to vector<16xf32>
    %swap3A_488 = arith.constant 1952 : index
    %swap3A_489 = tpu.vector_load %arg8[%swap3A_488] {strides = array<i32>} : memref<3072xf32, #tpu.memory_space<vmem>>, vector<16xf32>,
    tpu.vector_store %arg8[%swap3A_488], %broadcast_in_dim3A_487 {strides = array<i32>} : memref<3072xf32, #tpu.memory_space<vmem>>, vector<16xf32>,
    %broadcast_in_dim3A_490 = arith.constant 0.000000e+00 : f32
    %broadcast_in_dim3A_491 = vector.broadcast %broadcast_in_dim3A_490 : f32 to vector<16xf32>
    %swap3A_492 = arith.constant 1968 : index
    %swap3A_493 = tpu.vector_load %arg8[%swap3A_492] {strides = array<i32>} : memref<3072xf32, #tpu.memory_space<vmem>>, vector<16xf32>,
    tpu.vector_store %arg8[%swap3A_492], %broadcast_in_dim3A_491 {strides = array<i32>} : memref<3072xf32, #tpu.memory_space<vmem>>, vector<16xf32>,
    %broadcast_in_dim3A_494 = arith.constant 0.000000e+00 : f32
    %broadcast_in_dim3A_495 = vector.broadcast %broadcast_in_dim3A_494 : f32 to vector<16xf32>
    %swap3A_496 = arith.constant 1984 : index
    %swap3A_497 = tpu.vector_load %arg8[%swap3A_496] {strides = array<i32>} : memref<3072xf32, #tpu.memory_space<vmem>>, vector<16xf32>,
    tpu.vector_store %arg8[%swap3A_496], %broadcast_in_dim3A_495 {strides = array<i32>} : memref<3072xf32, #tpu.memory_space<vmem>>, vector<16xf32>,
    %broadcast_in_dim3A_498 = arith.constant 0.000000e+00 : f32
    %broadcast_in_dim3A_499 = vector.broadcast %broadcast_in_dim3A_498 : f32 to vector<16xf32>
    %swap3A_500 = arith.constant 2000 : index
    %swap3A_501 = tpu.vector_load %arg8[%swap3A_500] {strides = array<i32>} : memref<3072xf32, #tpu.memory_space<vmem>>, vector<16xf32>,
    tpu.vector_store %arg8[%swap3A_500], %broadcast_in_dim3A_499 {strides = array<i32>} : memref<3072xf32, #tpu.memory_space<vmem>>, vector<16xf32>,
    %broadcast_in_dim3A_502 = arith.constant 0.000000e+00 : f32
    %broadcast_in_dim3A_503 = vector.broadcast %broadcast_in_dim3A_502 : f32 to vector<16xf32>
    %swap3A_504 = arith.constant 2016 : index
    %swap3A_505 = tpu.vector_load %arg8[%swap3A_504] {strides = array<i32>} : memref<3072xf32, #tpu.memory_space<vmem>>, vector<16xf32>,
    tpu.vector_store %arg8[%swap3A_504], %broadcast_in_dim3A_503 {strides = array<i32>} : memref<3072xf32, #tpu.memory_space<vmem>>, vector<16xf32>,
    %broadcast_in_dim3A_506 = arith.constant 0.000000e+00 : f32
    %broadcast_in_dim3A_507 = vector.broadcast %broadcast_in_dim3A_506 : f32 to vector<16xf32>
    %swap3A_508 = arith.constant 2032 : index
    %swap3A_509 = tpu.vector_load %arg8[%swap3A_508] {strides = array<i32>} : memref<3072xf32, #tpu.memory_space<vmem>>, vector<16xf32>,
    tpu.vector_store %arg8[%swap3A_508], %broadcast_in_dim3A_507 {strides = array<i32>} : memref<3072xf32, #tpu.memory_space<vmem>>, vector<16xf32>,
    %broadcast_in_dim3A_510 = arith.constant 0.000000e+00 : f32
    %broadcast_in_dim3A_511 = vector.broadcast %broadcast_in_dim3A_510 : f32 to vector<16xf32>
    %swap3A_512 = arith.constant 2048 : index
    %swap3A_513 = tpu.vector_load %arg8[%swap3A_512] {strides = array<i32>} : memref<3072xf32, #tpu.memory_space<vmem>>, vector<16xf32>,
    tpu.vector_store %arg8[%swap3A_512], %broadcast_in_dim3A_511 {strides = array<i32>} : memref<3072xf32, #tpu.memory_space<vmem>>, vector<16xf32>,
    %broadcast_in_dim3A_514 = arith.constant 0.000000e+00 : f32
    %broadcast_in_dim3A_515 = vector.broadcast %broadcast_in_dim3A_514 : f32 to vector<16xf32>
    %swap3A_516 = arith.constant 2064 : index
    %swap3A_517 = tpu.vector_load %arg8[%swap3A_516] {strides = array<i32>} : memref<3072xf32, #tpu.memory_space<vmem>>, vector<16xf32>,
    tpu.vector_store %arg8[%swap3A_516], %broadcast_in_dim3A_515 {strides = array<i32>} : memref<3072xf32, #tpu.memory_space<vmem>>, vector<16xf32>,
    %broadcast_in_dim3A_518 = arith.constant 0.000000e+00 : f32
    %broadcast_in_dim3A_519 = vector.broadcast %broadcast_in_dim3A_518 : f32 to vector<16xf32>
    %swap3A_520 = arith.constant 2080 : index
    %swap3A_521 = tpu.vector_load %arg8[%swap3A_520] {strides = array<i32>} : memref<3072xf32, #tpu.memory_space<vmem>>, vector<16xf32>,
    tpu.vector_store %arg8[%swap3A_520], %broadcast_in_dim3A_519 {strides = array<i32>} : memref<3072xf32, #tpu.memory_space<vmem>>, vector<16xf32>,
    %broadcast_in_dim3A_522 = arith.constant 0.000000e+00 : f32
    %broadcast_in_dim3A_523 = vector.broadcast %broadcast_in_dim3A_522 : f32 to vector<16xf32>
    %swap3A_524 = arith.constant 2096 : index
    %swap3A_525 = tpu.vector_load %arg8[%swap3A_524] {strides = array<i32>} : memref<3072xf32, #tpu.memory_space<vmem>>, vector<16xf32>,
    tpu.vector_store %arg8[%swap3A_524], %broadcast_in_dim3A_523 {strides = array<i32>} : memref<3072xf32, #tpu.memory_space<vmem>>, vector<16xf32>,
    %broadcast_in_dim3A_526 = arith.constant 0.000000e+00 : f32
    %broadcast_in_dim3A_527 = vector.broadcast %broadcast_in_dim3A_526 : f32 to vector<16xf32>
    %swap3A_528 = arith.constant 2112 : index
    %swap3A_529 = tpu.vector_load %arg8[%swap3A_528] {strides = array<i32>} : memref<3072xf32, #tpu.memory_space<vmem>>, vector<16xf32>,
    tpu.vector_store %arg8[%swap3A_528], %broadcast_in_dim3A_527 {strides = array<i32>} : memref<3072xf32, #tpu.memory_space<vmem>>, vector<16xf32>,
    %broadcast_in_dim3A_530 = arith.constant 0.000000e+00 : f32
    %broadcast_in_dim3A_531 = vector.broadcast %broadcast_in_dim3A_530 : f32 to vector<16xf32>
    %swap3A_532 = arith.constant 2128 : index
    %swap3A_533 = tpu.vector_load %arg8[%swap3A_532] {strides = array<i32>} : memref<3072xf32, #tpu.memory_space<vmem>>, vector<16xf32>,
    tpu.vector_store %arg8[%swap3A_532], %broadcast_in_dim3A_531 {strides = array<i32>} : memref<3072xf32, #tpu.memory_space<vmem>>, vector<16xf32>,
    %broadcast_in_dim3A_534 = arith.constant 0.000000e+00 : f32
    %broadcast_in_dim3A_535 = vector.broadcast %broadcast_in_dim3A_534 : f32 to vector<16xf32>
    %swap3A_536 = arith.constant 2144 : index
    %swap3A_537 = tpu.vector_load %arg8[%swap3A_536] {strides = array<i32>} : memref<3072xf32, #tpu.memory_space<vmem>>, vector<16xf32>,
    tpu.vector_store %arg8[%swap3A_536], %broadcast_in_dim3A_535 {strides = array<i32>} : memref<3072xf32, #tpu.memory_space<vmem>>, vector<16xf32>,
    %broadcast_in_dim3A_538 = arith.constant 0.000000e+00 : f32
    %broadcast_in_dim3A_539 = vector.broadcast %broadcast_in_dim3A_538 : f32 to vector<16xf32>
    %swap3A_540 = arith.constant 2160 : index
    %swap3A_541 = tpu.vector_load %arg8[%swap3A_540] {strides = array<i32>} : memref<3072xf32, #tpu.memory_space<vmem>>, vector<16xf32>,
    tpu.vector_store %arg8[%swap3A_540], %broadcast_in_dim3A_539 {strides = array<i32>} : memref<3072xf32, #tpu.memory_space<vmem>>, vector<16xf32>,
    %broadcast_in_dim3A_542 = arith.constant 0.000000e+00 : f32
    %broadcast_in_dim3A_543 = vector.broadcast %broadcast_in_dim3A_542 : f32 to vector<16xf32>
    %swap3A_544 = arith.constant 2176 : index
    %swap3A_545 = tpu.vector_load %arg8[%swap3A_544] {strides = array<i32>} : memref<3072xf32, #tpu.memory_space<vmem>>, vector<16xf32>,
    tpu.vector_store %arg8[%swap3A_544], %broadcast_in_dim3A_543 {strides = array<i32>} : memref<3072xf32, #tpu.memory_space<vmem>>, vector<16xf32>,
    %broadcast_in_dim3A_546 = arith.constant 0.000000e+00 : f32
    %broadcast_in_dim3A_547 = vector.broadcast %broadcast_in_dim3A_546 : f32 to vector<16xf32>
    %swap3A_548 = arith.constant 2192 : index
    %swap3A_549 = tpu.vector_load %arg8[%swap3A_548] {strides = array<i32>} : memref<3072xf32, #tpu.memory_space<vmem>>, vector<16xf32>,
    tpu.vector_store %arg8[%swap3A_548], %broadcast_in_dim3A_547 {strides = array<i32>} : memref<3072xf32, #tpu.memory_space<vmem>>, vector<16xf32>,
    %broadcast_in_dim3A_550 = arith.constant 0.000000e+00 : f32
    %broadcast_in_dim3A_551 = vector.broadcast %broadcast_in_dim3A_550 : f32 to vector<16xf32>
    %swap3A_552 = arith.constant 2208 : index
    %swap3A_553 = tpu.vector_load %arg8[%swap3A_552] {strides = array<i32>} : memref<3072xf32, #tpu.memory_space<vmem>>, vector<16xf32>,
    tpu.vector_store %arg8[%swap3A_552], %broadcast_in_dim3A_551 {strides = array<i32>} : memref<3072xf32, #tpu.memory_space<vmem>>, vector<16xf32>,
    %broadcast_in_dim3A_554 = arith.constant 0.000000e+00 : f32
    %broadcast_in_dim3A_555 = vector.broadcast %broadcast_in_dim3A_554 : f32 to vector<16xf32>
    %swap3A_556 = arith.constant 2224 : index
    %swap3A_557 = tpu.vector_load %arg8[%swap3A_556] {strides = array<i32>} : memref<3072xf32, #tpu.memory_space<vmem>>, vector<16xf32>,
    tpu.vector_store %arg8[%swap3A_556], %broadcast_in_dim3A_555 {strides = array<i32>} : memref<3072xf32, #tpu.memory_space<vmem>>, vector<16xf32>,
    %broadcast_in_dim3A_558 = arith.constant 0.000000e+00 : f32
    %broadcast_in_dim3A_559 = vector.broadcast %broadcast_in_dim3A_558 : f32 to vector<16xf32>
    %swap3A_560 = arith.constant 2240 : index
    %swap3A_561 = tpu.vector_load %arg8[%swap3A_560] {strides = array<i32>} : memref<3072xf32, #tpu.memory_space<vmem>>, vector<16xf32>,
    tpu.vector_store %arg8[%swap3A_560], %broadcast_in_dim3A_559 {strides = array<i32>} : memref<3072xf32, #tpu.memory_space<vmem>>, vector<16xf32>,
    %broadcast_in_dim3A_562 = arith.constant 0.000000e+00 : f32
    %broadcast_in_dim3A_563 = vector.broadcast %broadcast_in_dim3A_562 : f32 to vector<16xf32>
    %swap3A_564 = arith.constant 2256 : index
    %swap3A_565 = tpu.vector_load %arg8[%swap3A_564] {strides = array<i32>} : memref<3072xf32, #tpu.memory_space<vmem>>, vector<16xf32>,
    tpu.vector_store %arg8[%swap3A_564], %broadcast_in_dim3A_563 {strides = array<i32>} : memref<3072xf32, #tpu.memory_space<vmem>>, vector<16xf32>,
    %broadcast_in_dim3A_566 = arith.constant 0.000000e+00 : f32
    %broadcast_in_dim3A_567 = vector.broadcast %broadcast_in_dim3A_566 : f32 to vector<16xf32>
    %swap3A_568 = arith.constant 2272 : index
    %swap3A_569 = tpu.vector_load %arg8[%swap3A_568] {strides = array<i32>} : memref<3072xf32, #tpu.memory_space<vmem>>, vector<16xf32>,
    tpu.vector_store %arg8[%swap3A_568], %broadcast_in_dim3A_567 {strides = array<i32>} : memref<3072xf32, #tpu.memory_space<vmem>>, vector<16xf32>,
    %broadcast_in_dim3A_570 = arith.constant 0.000000e+00 : f32
    %broadcast_in_dim3A_571 = vector.broadcast %broadcast_in_dim3A_570 : f32 to vector<16xf32>
    %swap3A_572 = arith.constant 2288 : index
    %swap3A_573 = tpu.vector_load %arg8[%swap3A_572] {strides = array<i32>} : memref<3072xf32, #tpu.memory_space<vmem>>, vector<16xf32>,
    tpu.vector_store %arg8[%swap3A_572], %broadcast_in_dim3A_571 {strides = array<i32>} : memref<3072xf32, #tpu.memory_space<vmem>>, vector<16xf32>,
    %broadcast_in_dim3A_574 = arith.constant 0.000000e+00 : f32
    %broadcast_in_dim3A_575 = vector.broadcast %broadcast_in_dim3A_574 : f32 to vector<16xf32>
    %swap3A_576 = arith.constant 2304 : index
    %swap3A_577 = tpu.vector_load %arg8[%swap3A_576] {strides = array<i32>} : memref<3072xf32, #tpu.memory_space<vmem>>, vector<16xf32>,
    tpu.vector_store %arg8[%swap3A_576], %broadcast_in_dim3A_575 {strides = array<i32>} : memref<3072xf32, #tpu.memory_space<vmem>>, vector<16xf32>,
    %broadcast_in_dim3A_578 = arith.constant 0.000000e+00 : f32
    %broadcast_in_dim3A_579 = vector.broadcast %broadcast_in_dim3A_578 : f32 to vector<16xf32>
    %swap3A_580 = arith.constant 2320 : index
    %swap3A_581 = tpu.vector_load %arg8[%swap3A_580] {strides = array<i32>} : memref<3072xf32, #tpu.memory_space<vmem>>, vector<16xf32>,
    tpu.vector_store %arg8[%swap3A_580], %broadcast_in_dim3A_579 {strides = array<i32>} : memref<3072xf32, #tpu.memory_space<vmem>>, vector<16xf32>,
    %broadcast_in_dim3A_582 = arith.constant 0.000000e+00 : f32
    %broadcast_in_dim3A_583 = vector.broadcast %broadcast_in_dim3A_582 : f32 to vector<16xf32>
    %swap3A_584 = arith.constant 2336 : index
    %swap3A_585 = tpu.vector_load %arg8[%swap3A_584] {strides = array<i32>} : memref<3072xf32, #tpu.memory_space<vmem>>, vector<16xf32>,
    tpu.vector_store %arg8[%swap3A_584], %broadcast_in_dim3A_583 {strides = array<i32>} : memref<3072xf32, #tpu.memory_space<vmem>>, vector<16xf32>,
    %broadcast_in_dim3A_586 = arith.constant 0.000000e+00 : f32
    %broadcast_in_dim3A_587 = vector.broadcast %broadcast_in_dim3A_586 : f32 to vector<16xf32>
    %swap3A_588 = arith.constant 2352 : index
    %swap3A_589 = tpu.vector_load %arg8[%swap3A_588] {strides = array<i32>} : memref<3072xf32, #tpu.memory_space<vmem>>, vector<16xf32>,
    tpu.vector_store %arg8[%swap3A_588], %broadcast_in_dim3A_587 {strides = array<i32>} : memref<3072xf32, #tpu.memory_space<vmem>>, vector<16xf32>,
    %broadcast_in_dim3A_590 = arith.constant 0.000000e+00 : f32
    %broadcast_in_dim3A_591 = vector.broadcast %broadcast_in_dim3A_590 : f32 to vector<16xf32>
    %swap3A_592 = arith.constant 2368 : index
    %swap3A_593 = tpu.vector_load %arg8[%swap3A_592] {strides = array<i32>} : memref<3072xf32, #tpu.memory_space<vmem>>, vector<16xf32>,
    tpu.vector_store %arg8[%swap3A_592], %broadcast_in_dim3A_591 {strides = array<i32>} : memref<3072xf32, #tpu.memory_space<vmem>>, vector<16xf32>,
    %broadcast_in_dim3A_594 = arith.constant 0.000000e+00 : f32
    %broadcast_in_dim3A_595 = vector.broadcast %broadcast_in_dim3A_594 : f32 to vector<16xf32>
    %swap3A_596 = arith.constant 2384 : index
    %swap3A_597 = tpu.vector_load %arg8[%swap3A_596] {strides = array<i32>} : memref<3072xf32, #tpu.memory_space<vmem>>, vector<16xf32>,
    tpu.vector_store %arg8[%swap3A_596], %broadcast_in_dim3A_595 {strides = array<i32>} : memref<3072xf32, #tpu.memory_space<vmem>>, vector<16xf32>,
    %broadcast_in_dim3A_598 = arith.constant 0.000000e+00 : f32
    %broadcast_in_dim3A_599 = vector.broadcast %broadcast_in_dim3A_598 : f32 to vector<16xf32>
    %swap3A_600 = arith.constant 2400 : index
    %swap3A_601 = tpu.vector_load %arg8[%swap3A_600] {strides = array<i32>} : memref<3072xf32, #tpu.memory_space<vmem>>, vector<16xf32>,
    tpu.vector_store %arg8[%swap3A_600], %broadcast_in_dim3A_599 {strides = array<i32>} : memref<3072xf32, #tpu.memory_space<vmem>>, vector<16xf32>,
    %broadcast_in_dim3A_602 = arith.constant 0.000000e+00 : f32
    %broadcast_in_dim3A_603 = vector.broadcast %broadcast_in_dim3A_602 : f32 to vector<16xf32>
    %swap3A_604 = arith.constant 2416 : index
    %swap3A_605 = tpu.vector_load %arg8[%swap3A_604] {strides = array<i32>} : memref<3072xf32, #tpu.memory_space<vmem>>, vector<16xf32>,
    tpu.vector_store %arg8[%swap3A_604], %broadcast_in_dim3A_603 {strides = array<i32>} : memref<3072xf32, #tpu.memory_space<vmem>>, vector<16xf32>,
    %broadcast_in_dim3A_606 = arith.constant 0.000000e+00 : f32
    %broadcast_in_dim3A_607 = vector.broadcast %broadcast_in_dim3A_606 : f32 to vector<16xf32>
    %swap3A_608 = arith.constant 2432 : index
    %swap3A_609 = tpu.vector_load %arg8[%swap3A_608] {strides = array<i32>} : memref<3072xf32, #tpu.memory_space<vmem>>, vector<16xf32>,
    tpu.vector_store %arg8[%swap3A_608], %broadcast_in_dim3A_607 {strides = array<i32>} : memref<3072xf32, #tpu.memory_space<vmem>>, vector<16xf32>,
    %broadcast_in_dim3A_610 = arith.constant 0.000000e+00 : f32
    %broadcast_in_dim3A_611 = vector.broadcast %broadcast_in_dim3A_610 : f32 to vector<16xf32>
    %swap3A_612 = arith.constant 2448 : index
    %swap3A_613 = tpu.vector_load %arg8[%swap3A_612] {strides = array<i32>} : memref<3072xf32, #tpu.memory_space<vmem>>, vector<16xf32>,
    tpu.vector_store %arg8[%swap3A_612], %broadcast_in_dim3A_611 {strides = array<i32>} : memref<3072xf32, #tpu.memory_space<vmem>>, vector<16xf32>,
    %broadcast_in_dim3A_614 = arith.constant 0.000000e+00 : f32
    %broadcast_in_dim3A_615 = vector.broadcast %broadcast_in_dim3A_614 : f32 to vector<16xf32>
    %swap3A_616 = arith.constant 2464 : index
    %swap3A_617 = tpu.vector_load %arg8[%swap3A_616] {strides = array<i32>} : memref<3072xf32, #tpu.memory_space<vmem>>, vector<16xf32>,
    tpu.vector_store %arg8[%swap3A_616], %broadcast_in_dim3A_615 {strides = array<i32>} : memref<3072xf32, #tpu.memory_space<vmem>>, vector<16xf32>,
    %broadcast_in_dim3A_618 = arith.constant 0.000000e+00 : f32
    %broadcast_in_dim3A_619 = vector.broadcast %broadcast_in_dim3A_618 : f32 to vector<16xf32>
    %swap3A_620 = arith.constant 2480 : index
    %swap3A_621 = tpu.vector_load %arg8[%swap3A_620] {strides = array<i32>} : memref<3072xf32, #tpu.memory_space<vmem>>, vector<16xf32>,
    tpu.vector_store %arg8[%swap3A_620], %broadcast_in_dim3A_619 {strides = array<i32>} : memref<3072xf32, #tpu.memory_space<vmem>>, vector<16xf32>,
    %broadcast_in_dim3A_622 = arith.constant 0.000000e+00 : f32
    %broadcast_in_dim3A_623 = vector.broadcast %broadcast_in_dim3A_622 : f32 to vector<16xf32>
    %swap3A_624 = arith.constant 2496 : index
    %swap3A_625 = tpu.vector_load %arg8[%swap3A_624] {strides = array<i32>} : memref<3072xf32, #tpu.memory_space<vmem>>, vector<16xf32>,
    tpu.vector_store %arg8[%swap3A_624], %broadcast_in_dim3A_623 {strides = array<i32>} : memref<3072xf32, #tpu.memory_space<vmem>>, vector<16xf32>,
    %broadcast_in_dim3A_626 = arith.constant 0.000000e+00 : f32
    %broadcast_in_dim3A_627 = vector.broadcast %broadcast_in_dim3A_626 : f32 to vector<16xf32>
    %swap3A_628 = arith.constant 2512 : index
    %swap3A_629 = tpu.vector_load %arg8[%swap3A_628] {strides = array<i32>} : memref<3072xf32, #tpu.memory_space<vmem>>, vector<16xf32>,
    tpu.vector_store %arg8[%swap3A_628], %broadcast_in_dim3A_627 {strides = array<i32>} : memref<3072xf32, #tpu.memory_space<vmem>>, vector<16xf32>,
    %broadcast_in_dim3A_630 = arith.constant 0.000000e+00 : f32
    %broadcast_in_dim3A_631 = vector.broadcast %broadcast_in_dim3A_630 : f32 to vector<16xf32>
    %swap3A_632 = arith.constant 2528 : index
    %swap3A_633 = tpu.vector_load %arg8[%swap3A_632] {strides = array<i32>} : memref<3072xf32, #tpu.memory_space<vmem>>, vector<16xf32>,
    tpu.vector_store %arg8[%swap3A_632], %broadcast_in_dim3A_631 {strides = array<i32>} : memref<3072xf32, #tpu.memory_space<vmem>>, vector<16xf32>,
    %broadcast_in_dim3A_634 = arith.constant 0.000000e+00 : f32
    %broadcast_in_dim3A_635 = vector.broadcast %broadcast_in_dim3A_634 : f32 to vector<16xf32>
    %swap3A_636 = arith.constant 2544 : index
    %swap3A_637 = tpu.vector_load %arg8[%swap3A_636] {strides = array<i32>} : memref<3072xf32, #tpu.memory_space<vmem>>, vector<16xf32>,
    tpu.vector_store %arg8[%swap3A_636], %broadcast_in_dim3A_635 {strides = array<i32>} : memref<3072xf32, #tpu.memory_space<vmem>>, vector<16xf32>,
    %broadcast_in_dim3A_638 = arith.constant 0.000000e+00 : f32
    %broadcast_in_dim3A_639 = vector.broadcast %broadcast_in_dim3A_638 : f32 to vector<16xf32>
    %swap3A_640 = arith.constant 2560 : index
    %swap3A_641 = tpu.vector_load %arg8[%swap3A_640] {strides = array<i32>} : memref<3072xf32, #tpu.memory_space<vmem>>, vector<16xf32>,
    tpu.vector_store %arg8[%swap3A_640], %broadcast_in_dim3A_639 {strides = array<i32>} : memref<3072xf32, #tpu.memory_space<vmem>>, vector<16xf32>,
    %broadcast_in_dim3A_642 = arith.constant 0.000000e+00 : f32
    %broadcast_in_dim3A_643 = vector.broadcast %broadcast_in_dim3A_642 : f32 to vector<16xf32>
    %swap3A_644 = arith.constant 2576 : index
    %swap3A_645 = tpu.vector_load %arg8[%swap3A_644] {strides = array<i32>} : memref<3072xf32, #tpu.memory_space<vmem>>, vector<16xf32>,
    tpu.vector_store %arg8[%swap3A_644], %broadcast_in_dim3A_643 {strides = array<i32>} : memref<3072xf32, #tpu.memory_space<vmem>>, vector<16xf32>,
    %broadcast_in_dim3A_646 = arith.constant 0.000000e+00 : f32
    %broadcast_in_dim3A_647 = vector.broadcast %broadcast_in_dim3A_646 : f32 to vector<16xf32>
    %swap3A_648 = arith.constant 2592 : index
    %swap3A_649 = tpu.vector_load %arg8[%swap3A_648] {strides = array<i32>} : memref<3072xf32, #tpu.memory_space<vmem>>, vector<16xf32>,
    tpu.vector_store %arg8[%swap3A_648], %broadcast_in_dim3A_647 {strides = array<i32>} : memref<3072xf32, #tpu.memory_space<vmem>>, vector<16xf32>,
    %broadcast_in_dim3A_650 = arith.constant 0.000000e+00 : f32
    %broadcast_in_dim3A_651 = vector.broadcast %broadcast_in_dim3A_650 : f32 to vector<16xf32>
    %swap3A_652 = arith.constant 2608 : index
    %swap3A_653 = tpu.vector_load %arg8[%swap3A_652] {strides = array<i32>} : memref<3072xf32, #tpu.memory_space<vmem>>, vector<16xf32>,
    tpu.vector_store %arg8[%swap3A_652], %broadcast_in_dim3A_651 {strides = array<i32>} : memref<3072xf32, #tpu.memory_space<vmem>>, vector<16xf32>,
    %broadcast_in_dim3A_654 = arith.constant 0.000000e+00 : f32
    %broadcast_in_dim3A_655 = vector.broadcast %broadcast_in_dim3A_654 : f32 to vector<16xf32>
    %swap3A_656 = arith.constant 2624 : index
    %swap3A_657 = tpu.vector_load %arg8[%swap3A_656] {strides = array<i32>} : memref<3072xf32, #tpu.memory_space<vmem>>, vector<16xf32>,
    tpu.vector_store %arg8[%swap3A_656], %broadcast_in_dim3A_655 {strides = array<i32>} : memref<3072xf32, #tpu.memory_space<vmem>>, vector<16xf32>,
    %broadcast_in_dim3A_658 = arith.constant 0.000000e+00 : f32
    %broadcast_in_dim3A_659 = vector.broadcast %broadcast_in_dim3A_658 : f32 to vector<16xf32>
    %swap3A_660 = arith.constant 2640 : index
    %swap3A_661 = tpu.vector_load %arg8[%swap3A_660] {strides = array<i32>} : memref<3072xf32, #tpu.memory_space<vmem>>, vector<16xf32>,
    tpu.vector_store %arg8[%swap3A_660], %broadcast_in_dim3A_659 {strides = array<i32>} : memref<3072xf32, #tpu.memory_space<vmem>>, vector<16xf32>,
    %broadcast_in_dim3A_662 = arith.constant 0.000000e+00 : f32
    %broadcast_in_dim3A_663 = vector.broadcast %broadcast_in_dim3A_662 : f32 to vector<16xf32>
    %swap3A_664 = arith.constant 2656 : index
    %swap3A_665 = tpu.vector_load %arg8[%swap3A_664] {strides = array<i32>} : memref<3072xf32, #tpu.memory_space<vmem>>, vector<16xf32>,
    tpu.vector_store %arg8[%swap3A_664], %broadcast_in_dim3A_663 {strides = array<i32>} : memref<3072xf32, #tpu.memory_space<vmem>>, vector<16xf32>,
    %broadcast_in_dim3A_666 = arith.constant 0.000000e+00 : f32
    %broadcast_in_dim3A_667 = vector.broadcast %broadcast_in_dim3A_666 : f32 to vector<16xf32>
    %swap3A_668 = arith.constant 2672 : index
    %swap3A_669 = tpu.vector_load %arg8[%swap3A_668] {strides = array<i32>} : memref<3072xf32, #tpu.memory_space<vmem>>, vector<16xf32>,
    tpu.vector_store %arg8[%swap3A_668], %broadcast_in_dim3A_667 {strides = array<i32>} : memref<3072xf32, #tpu.memory_space<vmem>>, vector<16xf32>,
    %broadcast_in_dim3A_670 = arith.constant 0.000000e+00 : f32
    %broadcast_in_dim3A_671 = vector.broadcast %broadcast_in_dim3A_670 : f32 to vector<16xf32>
    %swap3A_672 = arith.constant 2688 : index
    %swap3A_673 = tpu.vector_load %arg8[%swap3A_672] {strides = array<i32>} : memref<3072xf32, #tpu.memory_space<vmem>>, vector<16xf32>,
    tpu.vector_store %arg8[%swap3A_672], %broadcast_in_dim3A_671 {strides = array<i32>} : memref<3072xf32, #tpu.memory_space<vmem>>, vector<16xf32>,
    %broadcast_in_dim3A_674 = arith.constant 0.000000e+00 : f32
    %broadcast_in_dim3A_675 = vector.broadcast %broadcast_in_dim3A_674 : f32 to vector<16xf32>
    %swap3A_676 = arith.constant 2704 : index
    %swap3A_677 = tpu.vector_load %arg8[%swap3A_676] {strides = array<i32>} : memref<3072xf32, #tpu.memory_space<vmem>>, vector<16xf32>,
    tpu.vector_store %arg8[%swap3A_676], %broadcast_in_dim3A_675 {strides = array<i32>} : memref<3072xf32, #tpu.memory_space<vmem>>, vector<16xf32>,
    %broadcast_in_dim3A_678 = arith.constant 0.000000e+00 : f32
    %broadcast_in_dim3A_679 = vector.broadcast %broadcast_in_dim3A_678 : f32 to vector<16xf32>
    %swap3A_680 = arith.constant 2720 : index
    %swap3A_681 = tpu.vector_load %arg8[%swap3A_680] {strides = array<i32>} : memref<3072xf32, #tpu.memory_space<vmem>>, vector<16xf32>,
    tpu.vector_store %arg8[%swap3A_680], %broadcast_in_dim3A_679 {strides = array<i32>} : memref<3072xf32, #tpu.memory_space<vmem>>, vector<16xf32>,
    %broadcast_in_dim3A_682 = arith.constant 0.000000e+00 : f32
    %broadcast_in_dim3A_683 = vector.broadcast %broadcast_in_dim3A_682 : f32 to vector<16xf32>
    %swap3A_684 = arith.constant 2736 : index
    %swap3A_685 = tpu.vector_load %arg8[%swap3A_684] {strides = array<i32>} : memref<3072xf32, #tpu.memory_space<vmem>>, vector<16xf32>,
    tpu.vector_store %arg8[%swap3A_684], %broadcast_in_dim3A_683 {strides = array<i32>} : memref<3072xf32, #tpu.memory_space<vmem>>, vector<16xf32>,
    %broadcast_in_dim3A_686 = arith.constant 0.000000e+00 : f32
    %broadcast_in_dim3A_687 = vector.broadcast %broadcast_in_dim3A_686 : f32 to vector<16xf32>
    %swap3A_688 = arith.constant 2752 : index
    %swap3A_689 = tpu.vector_load %arg8[%swap3A_688] {strides = array<i32>} : memref<3072xf32, #tpu.memory_space<vmem>>, vector<16xf32>,
    tpu.vector_store %arg8[%swap3A_688], %broadcast_in_dim3A_687 {strides = array<i32>} : memref<3072xf32, #tpu.memory_space<vmem>>, vector<16xf32>,
    %broadcast_in_dim3A_690 = arith.constant 0.000000e+00 : f32
    %broadcast_in_dim3A_691 = vector.broadcast %broadcast_in_dim3A_690 : f32 to vector<16xf32>
    %swap3A_692 = arith.constant 2768 : index
    %swap3A_693 = tpu.vector_load %arg8[%swap3A_692] {strides = array<i32>} : memref<3072xf32, #tpu.memory_space<vmem>>, vector<16xf32>,
    tpu.vector_store %arg8[%swap3A_692], %broadcast_in_dim3A_691 {strides = array<i32>} : memref<3072xf32, #tpu.memory_space<vmem>>, vector<16xf32>,
    %broadcast_in_dim3A_694 = arith.constant 0.000000e+00 : f32
    %broadcast_in_dim3A_695 = vector.broadcast %broadcast_in_dim3A_694 : f32 to vector<16xf32>
    %swap3A_696 = arith.constant 2784 : index
    %swap3A_697 = tpu.vector_load %arg8[%swap3A_696] {strides = array<i32>} : memref<3072xf32, #tpu.memory_space<vmem>>, vector<16xf32>,
    tpu.vector_store %arg8[%swap3A_696], %broadcast_in_dim3A_695 {strides = array<i32>} : memref<3072xf32, #tpu.memory_space<vmem>>, vector<16xf32>,
    %broadcast_in_dim3A_698 = arith.constant 0.000000e+00 : f32
    %broadcast_in_dim3A_699 = vector.broadcast %broadcast_in_dim3A_698 : f32 to vector<16xf32>
    %swap3A_700 = arith.constant 2800 : index
    %swap3A_701 = tpu.vector_load %arg8[%swap3A_700] {strides = array<i32>} : memref<3072xf32, #tpu.memory_space<vmem>>, vector<16xf32>,
    tpu.vector_store %arg8[%swap3A_700], %broadcast_in_dim3A_699 {strides = array<i32>} : memref<3072xf32, #tpu.memory_space<vmem>>, vector<16xf32>,
    %broadcast_in_dim3A_702 = arith.constant 0.000000e+00 : f32
    %broadcast_in_dim3A_703 = vector.broadcast %broadcast_in_dim3A_702 : f32 to vector<16xf32>
    %swap3A_704 = arith.constant 2816 : index
    %swap3A_705 = tpu.vector_load %arg8[%swap3A_704] {strides = array<i32>} : memref<3072xf32, #tpu.memory_space<vmem>>, vector<16xf32>,
    tpu.vector_store %arg8[%swap3A_704], %broadcast_in_dim3A_703 {strides = array<i32>} : memref<3072xf32, #tpu.memory_space<vmem>>, vector<16xf32>,
    %broadcast_in_dim3A_706 = arith.constant 0.000000e+00 : f32
    %broadcast_in_dim3A_707 = vector.broadcast %broadcast_in_dim3A_706 : f32 to vector<16xf32>
    %swap3A_708 = arith.constant 2832 : index
    %swap3A_709 = tpu.vector_load %arg8[%swap3A_708] {strides = array<i32>} : memref<3072xf32, #tpu.memory_space<vmem>>, vector<16xf32>,
    tpu.vector_store %arg8[%swap3A_708], %broadcast_in_dim3A_707 {strides = array<i32>} : memref<3072xf32, #tpu.memory_space<vmem>>, vector<16xf32>,
    %broadcast_in_dim3A_710 = arith.constant 0.000000e+00 : f32
    %broadcast_in_dim3A_711 = vector.broadcast %broadcast_in_dim3A_710 : f32 to vector<16xf32>
    %swap3A_712 = arith.constant 2848 : index
    %swap3A_713 = tpu.vector_load %arg8[%swap3A_712] {strides = array<i32>} : memref<3072xf32, #tpu.memory_space<vmem>>, vector<16xf32>,
    tpu.vector_store %arg8[%swap3A_712], %broadcast_in_dim3A_711 {strides = array<i32>} : memref<3072xf32, #tpu.memory_space<vmem>>, vector<16xf32>,
    %broadcast_in_dim3A_714 = arith.constant 0.000000e+00 : f32
    %broadcast_in_dim3A_715 = vector.broadcast %broadcast_in_dim3A_714 : f32 to vector<16xf32>
    %swap3A_716 = arith.constant 2864 : index
    %swap3A_717 = tpu.vector_load %arg8[%swap3A_716] {strides = array<i32>} : memref<3072xf32, #tpu.memory_space<vmem>>, vector<16xf32>,
    tpu.vector_store %arg8[%swap3A_716], %broadcast_in_dim3A_715 {strides = array<i32>} : memref<3072xf32, #tpu.memory_space<vmem>>, vector<16xf32>,
    %broadcast_in_dim3A_718 = arith.constant 0.000000e+00 : f32
    %broadcast_in_dim3A_719 = vector.broadcast %broadcast_in_dim3A_718 : f32 to vector<16xf32>
    %swap3A_720 = arith.constant 2880 : index
    %swap3A_721 = tpu.vector_load %arg8[%swap3A_720] {strides = array<i32>} : memref<3072xf32, #tpu.memory_space<vmem>>, vector<16xf32>,
    tpu.vector_store %arg8[%swap3A_720], %broadcast_in_dim3A_719 {strides = array<i32>} : memref<3072xf32, #tpu.memory_space<vmem>>, vector<16xf32>,
    %broadcast_in_dim3A_722 = arith.constant 0.000000e+00 : f32
    %broadcast_in_dim3A_723 = vector.broadcast %broadcast_in_dim3A_722 : f32 to vector<16xf32>
    %swap3A_724 = arith.constant 2896 : index
    %swap3A_725 = tpu.vector_load %arg8[%swap3A_724] {strides = array<i32>} : memref<3072xf32, #tpu.memory_space<vmem>>, vector<16xf32>,
    tpu.vector_store %arg8[%swap3A_724], %broadcast_in_dim3A_723 {strides = array<i32>} : memref<3072xf32, #tpu.memory_space<vmem>>, vector<16xf32>,
    %broadcast_in_dim3A_726 = arith.constant 0.000000e+00 : f32
    %broadcast_in_dim3A_727 = vector.broadcast %broadcast_in_dim3A_726 : f32 to vector<16xf32>
    %swap3A_728 = arith.constant 2912 : index
    %swap3A_729 = tpu.vector_load %arg8[%swap3A_728] {strides = array<i32>} : memref<3072xf32, #tpu.memory_space<vmem>>, vector<16xf32>,
    tpu.vector_store %arg8[%swap3A_728], %broadcast_in_dim3A_727 {strides = array<i32>} : memref<3072xf32, #tpu.memory_space<vmem>>, vector<16xf32>,
    %broadcast_in_dim3A_730 = arith.constant 0.000000e+00 : f32
    %broadcast_in_dim3A_731 = vector.broadcast %broadcast_in_dim3A_730 : f32 to vector<16xf32>
    %swap3A_732 = arith.constant 2928 : index
    %swap3A_733 = tpu.vector_load %arg8[%swap3A_732] {strides = array<i32>} : memref<3072xf32, #tpu.memory_space<vmem>>, vector<16xf32>,
    tpu.vector_store %arg8[%swap3A_732], %broadcast_in_dim3A_731 {strides = array<i32>} : memref<3072xf32, #tpu.memory_space<vmem>>, vector<16xf32>,
    %broadcast_in_dim3A_734 = arith.constant 0.000000e+00 : f32
    %broadcast_in_dim3A_735 = vector.broadcast %broadcast_in_dim3A_734 : f32 to vector<16xf32>
    %swap3A_736 = arith.constant 2944 : index
    %swap3A_737 = tpu.vector_load %arg8[%swap3A_736] {strides = array<i32>} : memref<3072xf32, #tpu.memory_space<vmem>>, vector<16xf32>,
    tpu.vector_store %arg8[%swap3A_736], %broadcast_in_dim3A_735 {strides = array<i32>} : memref<3072xf32, #tpu.memory_space<vmem>>, vector<16xf32>,
    %broadcast_in_dim3A_738 = arith.constant 0.000000e+00 : f32
    %broadcast_in_dim3A_739 = vector.broadcast %broadcast_in_dim3A_738 : f32 to vector<16xf32>
    %swap3A_740 = arith.constant 2960 : index
    %swap3A_741 = tpu.vector_load %arg8[%swap3A_740] {strides = array<i32>} : memref<3072xf32, #tpu.memory_space<vmem>>, vector<16xf32>,
    tpu.vector_store %arg8[%swap3A_740], %broadcast_in_dim3A_739 {strides = array<i32>} : memref<3072xf32, #tpu.memory_space<vmem>>, vector<16xf32>,
    %broadcast_in_dim3A_742 = arith.constant 0.000000e+00 : f32
    %broadcast_in_dim3A_743 = vector.broadcast %broadcast_in_dim3A_742 : f32 to vector<16xf32>
    %swap3A_744 = arith.constant 2976 : index
    %swap3A_745 = tpu.vector_load %arg8[%swap3A_744] {strides = array<i32>} : memref<3072xf32, #tpu.memory_space<vmem>>, vector<16xf32>,
    tpu.vector_store %arg8[%swap3A_744], %broadcast_in_dim3A_743 {strides = array<i32>} : memref<3072xf32, #tpu.memory_space<vmem>>, vector<16xf32>,
    %broadcast_in_dim3A_746 = arith.constant 0.000000e+00 : f32
    %broadcast_in_dim3A_747 = vector.broadcast %broadcast_in_dim3A_746 : f32 to vector<16xf32>
    %swap3A_748 = arith.constant 2992 : index
    %swap3A_749 = tpu.vector_load %arg8[%swap3A_748] {strides = array<i32>} : memref<3072xf32, #tpu.memory_space<vmem>>, vector<16xf32>,
    tpu.vector_store %arg8[%swap3A_748], %broadcast_in_dim3A_747 {strides = array<i32>} : memref<3072xf32, #tpu.memory_space<vmem>>, vector<16xf32>,
    %broadcast_in_dim3A_750 = arith.constant 0.000000e+00 : f32
    %broadcast_in_dim3A_751 = vector.broadcast %broadcast_in_dim3A_750 : f32 to vector<16xf32>
    %swap3A_752 = arith.constant 3008 : index
    %swap3A_753 = tpu.vector_load %arg8[%swap3A_752] {strides = array<i32>} : memref<3072xf32, #tpu.memory_space<vmem>>, vector<16xf32>,
    tpu.vector_store %arg8[%swap3A_752], %broadcast_in_dim3A_751 {strides = array<i32>} : memref<3072xf32, #tpu.memory_space<vmem>>, vector<16xf32>,
    %broadcast_in_dim3A_754 = arith.constant 0.000000e+00 : f32
    %broadcast_in_dim3A_755 = vector.broadcast %broadcast_in_dim3A_754 : f32 to vector<16xf32>
    %swap3A_756 = arith.constant 3024 : index
    %swap3A_757 = tpu.vector_load %arg8[%swap3A_756] {strides = array<i32>} : memref<3072xf32, #tpu.memory_space<vmem>>, vector<16xf32>,
    tpu.vector_store %arg8[%swap3A_756], %broadcast_in_dim3A_755 {strides = array<i32>} : memref<3072xf32, #tpu.memory_space<vmem>>, vector<16xf32>,
    %broadcast_in_dim3A_758 = arith.constant 0.000000e+00 : f32
    %broadcast_in_dim3A_759 = vector.broadcast %broadcast_in_dim3A_758 : f32 to vector<16xf32>
    %swap3A_760 = arith.constant 3040 : index
    %swap3A_761 = tpu.vector_load %arg8[%swap3A_760] {strides = array<i32>} : memref<3072xf32, #tpu.memory_space<vmem>>, vector<16xf32>,
    tpu.vector_store %arg8[%swap3A_760], %broadcast_in_dim3A_759 {strides = array<i32>} : memref<3072xf32, #tpu.memory_space<vmem>>, vector<16xf32>,
    %broadcast_in_dim3A_762 = arith.constant 0.000000e+00 : f32
    %broadcast_in_dim3A_763 = vector.broadcast %broadcast_in_dim3A_762 : f32 to vector<16xf32>
    %swap3A_764 = arith.constant 3056 : index
    %swap3A_765 = tpu.vector_load %arg8[%swap3A_764] {strides = array<i32>} : memref<3072xf32, #tpu.memory_space<vmem>>, vector<16xf32>,
    tpu.vector_store %arg8[%swap3A_764], %broadcast_in_dim3A_763 {strides = array<i32>} : memref<3072xf32, #tpu.memory_space<vmem>>, vector<16xf32>,
    %lt3A = arith.constant 16 : i32
    %lt3A_766 = arith.cmpi slt, %arg1, %lt3A : i32
    %convert_element_type3A = arith.extui %lt3A_766 : i1 to i32
    %cond3A = arith.constant 0 : i32
    %cond3A_767 = arith.cmpi ne, %convert_element_type3A, %cond3A : i32
    scf.if %cond3A_767 {
      %mul3A = arith.constant 3072 : i32
      %mul3A_779 = arith.muli %arg1, %mul3A : i32
      "tpu.region"() ({
        %run_scoped3A = tpu.sem_alloc : memref<!tpu.dma_semaphore, #tpu.memory_space<semaphore_mem>>
        %dma_start3A = tpu.memref_slice %arg5[%mul3A_779] : memref<49152xf32, #tpu.memory_space<vmem_shared>> -> memref<3072xf32, #tpu.memory_space<vmem_shared>>
        %dma_start3A_780 = tpu.memref_slice %arg5[%mul3A_779] : memref<49152xf32, #tpu.memory_space<vmem_shared>> -> memref<3072xf32, #tpu.memory_space<vmem_shared>>
        tpu.enqueue_dma source(%arg8 : memref<3072xf32, #tpu.memory_space<vmem>>) target(%dma_start3A_780 : memref<3072xf32, #tpu.memory_space<vmem_shared>>) target_semaphore(%run_scoped3A : memref<!tpu.dma_semaphore, #tpu.memory_space<semaphore_mem>>)
        %dma_wait3A = tpu.memref_slice %arg5[%mul3A_779] : memref<49152xf32, #tpu.memory_space<vmem_shared>> -> memref<3072xf32, #tpu.memory_space<vmem_shared>>
        %dma_wait3A_781 = tpu.memref_slice %arg5[%mul3A_779] : memref<49152xf32, #tpu.memory_space<vmem_shared>> -> memref<3072xf32, #tpu.memory_space<vmem_shared>>
        tpu.wait_dma2 semaphore(%run_scoped3A : memref<!tpu.dma_semaphore, #tpu.memory_space<semaphore_mem>>) src(%arg8 : memref<3072xf32, #tpu.memory_space<vmem>>) dst(%dma_wait3A_781 : memref<3072xf32, #tpu.memory_space<vmem_shared>>)
        tpu.yield
      }) : () -> ()
    } else {
    }
    %barrier3A = arith.constant 0 : index
    tpu.barrier barrier_id(%barrier3A)
    %lt3A_768 = arith.constant 12 : i32
    %lt3A_769 = arith.cmpi slt, %arg1, %lt3A_768 : i32
    %convert_element_type3A_770 = arith.extui %lt3A_769 : i1 to i32
    %cond3A_771 = arith.constant 0 : i32
    %cond3A_772 = arith.cmpi ne, %convert_element_type3A_770, %cond3A_771 : i32
    scf.if %cond3A_772 {
      %mul3A = arith.constant 192 : i32
      %mul3A_779 = arith.muli %arg0, %mul3A : i32
      %mul3A_780 = arith.constant 16 : i32
      %mul3A_781 = arith.muli %arg1, %mul3A_780 : i32
      %add3A = arith.addi %mul3A_779, %mul3A_781 : i32
      %scan3A = arith.constant 0 : i32
      %mul3A_782 = arith.constant 1 : i32
      %mul3A_783 = arith.muli %scan3A, %mul3A_782 : i32
      %add3A_784 = arith.constant 0 : i32
      %add3A_785 = arith.addi %add3A_784, %mul3A_783 : i32
      %mul3A_786 = arith.constant 16 : i32
      %mul3A_787 = arith.muli %add3A_785, %mul3A_786 : i32
      %add3A_788 = arith.addi %add3A, %mul3A_787 : i32
      "tpu.region"() ({
        %run_scoped3A = tpu.sem_alloc : memref<!tpu.dma_semaphore, #tpu.memory_space<semaphore_mem>>
        %dma_start3A = tpu.memref_slice %arg2[%add3A_788] : memref<384xi32, #tpu.memory_space<hbm>> -> memref<16xi32, #tpu.memory_space<hbm>>
        %dma_start3A_790 = tpu.memref_slice %arg2[%add3A_788] : memref<384xi32, #tpu.memory_space<hbm>> -> memref<16xi32, #tpu.memory_space<hbm>>
        tpu.enqueue_dma source(%dma_start3A_790 : memref<16xi32, #tpu.memory_space<hbm>>) target(%arg6 : memref<16xi32, #tpu.memory_space<vmem>>) target_semaphore(%run_scoped3A : memref<!tpu.dma_semaphore, #tpu.memory_space<semaphore_mem>>)
        %dma_wait3A = tpu.memref_slice %arg2[%add3A_788] : memref<384xi32, #tpu.memory_space<hbm>> -> memref<16xi32, #tpu.memory_space<hbm>>
        %dma_wait3A_791 = tpu.memref_slice %arg2[%add3A_788] : memref<384xi32, #tpu.memory_space<hbm>> -> memref<16xi32, #tpu.memory_space<hbm>>
        tpu.wait_dma2 semaphore(%run_scoped3A : memref<!tpu.dma_semaphore, #tpu.memory_space<semaphore_mem>>) src(%dma_wait3A_791 : memref<16xi32, #tpu.memory_space<hbm>>) dst(%arg6 : memref<16xi32, #tpu.memory_space<vmem>>)
        tpu.yield
      }) : () -> ()
      "tpu.region"() ({
        %run_scoped3A = tpu.sem_alloc : memref<!tpu.dma_semaphore, #tpu.memory_space<semaphore_mem>>
        %dma_start3A = tpu.memref_slice %arg3[%add3A_788] : memref<384xf32, #tpu.memory_space<hbm>> -> memref<16xf32, #tpu.memory_space<hbm>>
        %dma_start3A_790 = tpu.memref_slice %arg3[%add3A_788] : memref<384xf32, #tpu.memory_space<hbm>> -> memref<16xf32, #tpu.memory_space<hbm>>
        tpu.enqueue_dma source(%dma_start3A_790 : memref<16xf32, #tpu.memory_space<hbm>>) target(%arg7 : memref<16xf32, #tpu.memory_space<vmem>>) target_semaphore(%run_scoped3A : memref<!tpu.dma_semaphore, #tpu.memory_space<semaphore_mem>>)
        %dma_wait3A = tpu.memref_slice %arg3[%add3A_788] : memref<384xf32, #tpu.memory_space<hbm>> -> memref<16xf32, #tpu.memory_space<hbm>>
        %dma_wait3A_791 = tpu.memref_slice %arg3[%add3A_788] : memref<384xf32, #tpu.memory_space<hbm>> -> memref<16xf32, #tpu.memory_space<hbm>>
        tpu.wait_dma2 semaphore(%run_scoped3A : memref<!tpu.dma_semaphore, #tpu.memory_space<semaphore_mem>>) src(%dma_wait3A_791 : memref<16xf32, #tpu.memory_space<hbm>>) dst(%arg7 : memref<16xf32, #tpu.memory_space<vmem>>)
        tpu.yield
      }) : () -> ()
      "tpu.region"() ({
        %run_scoped3A = tpu.sem_alloc : memref<!tpu.dma_semaphore, #tpu.memory_space<semaphore_mem>>
        %dma_start3A = arith.constant 0 : i32
        %dma_start3A_790 = tpu.memref_slice %arg5[%dma_start3A] : memref<49152xf32, #tpu.memory_space<vmem_shared>> -> memref<49152xf32, #tpu.memory_space<vmem_shared>>
        tpu.enqueue_indirect_dma source(%arg7 : memref<16xf32, #tpu.memory_space<vmem>>) target(%dma_start3A_790 : memref<49152xf32, #tpu.memory_space<vmem_shared>>) offsets(%arg6 : memref<16xi32, #tpu.memory_space<vmem>>) semaphore(%run_scoped3A : memref<!tpu.dma_semaphore, #tpu.memory_space<semaphore_mem>>) {add = true}
        %dma_wait3A = arith.constant 0 : i32
        %dma_wait3A_791 = tpu.memref_slice %arg5[%dma_wait3A] : memref<49152xf32, #tpu.memory_space<vmem_shared>> -> memref<49152xf32, #tpu.memory_space<vmem_shared>>
        tpu.wait_indirect_dma semaphore(%run_scoped3A : memref<!tpu.dma_semaphore, #tpu.memory_space<semaphore_mem>>) src(%arg7 : memref<16xf32, #tpu.memory_space<vmem>>) dst(%dma_wait3A_791 : memref<49152xf32, #tpu.memory_space<vmem_shared>>)
        tpu.yield
      }) : () -> ()
      %scan3A_789 = arith.constant 1 : i32
    } else {
    }
    %barrier3A_773 = arith.constant 0 : index
    tpu.barrier barrier_id(%barrier3A_773)
    %lt3A_774 = arith.constant 16 : i32
    %lt3A_775 = arith.cmpi slt, %arg1, %lt3A_774 : i32
    %convert_element_type3A_776 = arith.extui %lt3A_775 : i1 to i32
    %cond3A_777 = arith.constant 0 : i32
    %cond3A_778 = arith.cmpi ne, %convert_element_type3A_776, %cond3A_777 : i32
    scf.if %cond3A_778 {
      %mul3A = arith.constant 3072 : i32
      %mul3A_779 = arith.muli %arg1, %mul3A : i32
      %mul3A_780 = arith.constant 49152 : i32
      %mul3A_781 = arith.muli %arg0, %mul3A_780 : i32
      %mul3A_782 = arith.constant 3072 : i32
      %mul3A_783 = arith.muli %arg1, %mul3A_782 : i32
      %add3A = arith.addi %mul3A_781, %mul3A_783 : i32
      "tpu.region"() ({
        %run_scoped3A = tpu.sem_alloc : memref<!tpu.dma_semaphore, #tpu.memory_space<semaphore_mem>>
        %dma_start3A = tpu.memref_slice %arg4[%add3A] : memref<98304xf32, #tpu.memory_space<hbm>> -> memref<3072xf32, #tpu.memory_space<hbm>>
        %dma_start3A_784 = tpu.memref_slice %arg5[%mul3A_779] : memref<49152xf32, #tpu.memory_space<vmem_shared>> -> memref<3072xf32, #tpu.memory_space<vmem_shared>>
        tpu.enqueue_dma source(%dma_start3A_784 : memref<3072xf32, #tpu.memory_space<vmem_shared>>) target(%dma_start3A : memref<3072xf32, #tpu.memory_space<hbm>>) target_semaphore(%run_scoped3A : memref<!tpu.dma_semaphore, #tpu.memory_space<semaphore_mem>>)
        %dma_wait3A = tpu.memref_slice %arg4[%add3A] : memref<98304xf32, #tpu.memory_space<hbm>> -> memref<3072xf32, #tpu.memory_space<hbm>>
        %dma_wait3A_785 = tpu.memref_slice %arg5[%mul3A_779] : memref<49152xf32, #tpu.memory_space<vmem_shared>> -> memref<3072xf32, #tpu.memory_space<vmem_shared>>
        tpu.wait_dma2 semaphore(%run_scoped3A : memref<!tpu.dma_semaphore, #tpu.memory_space<semaphore_mem>>) src(%dma_wait3A_785 : memref<3072xf32, #tpu.memory_space<vmem_shared>>) dst(%dma_wait3A : memref<3072xf32, #tpu.memory_space<hbm>>)
        tpu.yield
      }) : () -> ()
    } else {
    }
    return
  }
}

</mosaic_0001>

<sc_bundles>
// kernel: _sc_degree.3.cloned.1.call-start
scs
__scs_entry_jumppad:
0x0: {  	(pc) =	sbr.rel $0x88, $3  }
0x1: {  	(tag) =	ssettag $0x0;
	lr =	simm.s32 $0x1  }
0x2: {  	[smem:$0x3F9F] =	sst lr;
	_ =	strace $0xD0000000  }
0x3: {  	_ = 	snop  }
0x4: {  	_ = 	snop  }
0x5: {  	_ = 	snop  }
0x6: {  	_ = 	snop  }
0x7: {  	_ = 	snop  }
__scs_overlays_trampoline_lowered:
0x8: {  	[smem:$0x3FAE] =	sst s0  }
0x9: {  	[smem:$0x3FAF] =	sst s1  }
0xa: {  	[smem:$0x3FB0] =	sst s2  }
0xb: {  	[smem:$0x3FB1] =	sst s3  }
0xc: {  	[smem:$0x3FB2] =	sst s4  }
0xd: {  	[smem:$0x3FB3] =	sst s5  }
0xe: {  	[smem:$0x3FB4] =	sst s6  }
0xf: {  	[smem:$0x3FB5] =	sst s7  }
0x10: {  	[smem:$0x3FB6] =	sst s8  }
0x11: {  	[smem:$0x3FB7] =	sst s9;
	s0 =	simm.s32 @!p0 $0x0  }
0x12: {  	s1 =	sld [smem:$0x3F9D];
	s0 =	simm.s32 @p0 $0x1  }
0x13: {  	[smem:$0x3FB8] =	sst s0;
	s0 =	simm.s32 @!p1 $0x0  }
0x14: {  	s2 =	sld [smem:$0x3F9C];
	s0 =	simm.s32 @p1 $0x1  }
0x15: {  	[smem:$0x3FB9] =	sst s0;
	s0 =	simm.s32 @!p2 $0x0  }
0x16: {  	s3 =	sld [smem:$0x3FDB];
	s0 =	simm.s32 @p2 $0x1  }
0x17: {  	s4 =	simm.s32 $0x1BF5;
	[smem:$0x3FBB] =	sst s0  }
0x18: {  	s0 =	sld [smem:$0x3F9E];
	_ =	swait.ge [sflag:s4], $0x0  }
0x19: {  	s7 =	sld [smem:$0x3F9F]  }
0x1a: {  	s8 =	sadd.s32 $0xFFFFE003, lr  }
0x1b: {  	s9 =	sadd.s32 $0xFFFFFEF7, lr;
	s5 =	simm.s32 $0xFFFFFFFF;
	p2 =	slt.u32 s8, $0xFFFFF086  }
0x1c: {  	p1 =	slt.u32 s9, $0xF7A;
	s5 =	simm.s32 @!p2 $0x0  }
0x1d: {  	s5 =	simm.s32 @p1 $0x1;
	p0 =	seq.s32 s7, s2  }
0x1e: {  	s7 =	smul.u32 @!p0 $0xF7A, s2;
	p2 =	seq.s32 @!p0 s5, $0x0  }
0x1f: {  	s9 =	smul.u32 $0xF7A, s1;
	s8 =	simm.s32 @!p0 $0x1BF5;
	p2 =	por !p2, p0  }
0x20: {  	[sflag:s8] =	ssyncset.s32 @!p0 $0xFFFFF086;
	s6 =	sadd.s32 @!p0 s3, s7;
	s7 =	simm.s32 @!p0 $0x108  }
0x21: {  	s3 =	sadd.s32 s3, s9;
	s6 =	sadd.s32 @!p0 $0x88, s6;
	s7 =	simm.s32 @p2 $0x1082  }
0x22: {  	[simem:s7], [sflag:s8] =	dma.local @!p0 [hbm:s6], $0xF7A  }
0x23: {  	s9 =	sor.u32 $0xD0000000, s2;
	s6 =	simm.s32 $0x108;
	_ =	swait.ge @!p0 [sflag:s8], $0x0  }
0x24: {  	s3 =	sadd.s32 $0x88, s3;
	s6 =	simm.s32 @!p1 $0x1082;
	[sflag:s4] =	ssyncset.s32 $0xFFFFF086  }
0x25: {  	[simem:s6], [sflag:s4] =	dma.local [hbm:s3], $0xF7A  }
0x26: {  	[smem:$0x3F9F] =	sst s1;
	(tag) =	ssettag s2;
	_ =	strace s9  }
0x27: {  	s1 =	sld [smem:$0x3FAF]  }
0x28: {  	s2 =	sld [smem:$0x3FB0]  }
0x29: {  	s4 =	sld [smem:$0x3FB2]  }
0x2a: {  	p0 =	seq.s32 s5, $0x0;
	s5 =	sld [smem:$0x3FB3]  }
0x2b: {  	s6 =	sld [smem:$0x3FB4]  }
0x2c: {  	s7 =	sld [smem:$0x3FB5]  }
0x2d: {  	s3 =	simm.s32 $0x108;
	s8 =	sld [smem:$0x3FB6]  }
0x2e: {  	s3 =	simm.s32 @!p0 $0x1082;
	s9 =	sld [smem:$0x3FB7]  }
0x2f: {  	lr =	sadd.s32 s0, s3;
	s0 =	sld [smem:$0x3FAE]  }
0x30: {  	s3 =	sld [smem:$0x3FB1]  }
0x31: {  	[smem:$0x3FBA] =	sst s10  }
0x32: {  	s10 =	sld [smem:$0x3FB8];
	_ =	sdelay $0x3  }
0x33: {  	p0 =	seq.s32 s10, $0x1;
	s10 =	sld [smem:$0x3FBA];
	_ =	sdelay $0x3  }
0x34: {  	[smem:$0x3FBA] =	sst s10  }
0x35: {  	s10 =	sld [smem:$0x3FB9];
	_ =	sdelay $0x3  }
0x36: {  	p1 =	seq.s32 s10, $0x1;
	s10 =	sld [smem:$0x3FBA];
	_ =	sdelay $0x3  }
0x37: {  	[smem:$0x3FBA] =	sst s10  }
0x38: {  	s10 =	sld [smem:$0x3FBB]  }
0x39: {  	_ = 	snop;
	(pc) =	sbr.ind lr, $3  }
0x3a: {  	_ = 	snop  }
0x3b: {  	_ = 	snop  }
0x3c: {  	p2 =	seq.s32 s10, $0x1;
	s10 =	sld [smem:$0x3FBA]  }
0x3d: {  	_ =	shalt  }
0x3e: {  	_ =	shalt  }
0x3f: {  	_ =	shalt  }
0x40: {  	_ =	shalt  }
0x41: {  	_ =	shalt  }
0x42: {  	_ =	shalt  }
0x43: {  	_ =	shalt  }
0x44: {  	_ =	shalt  }
0x45: {  	_ =	shalt  }
0x46: {  	_ =	shalt  }
0x47: {  	_ =	shalt  }
0x48: {  	_ =	shalt  }
0x49: {  	_ =	shalt  }
0x4a: {  	_ =	shalt  }
0x4b: {  	_ =	shalt  }
0x4c: {  	_ =	shalt  }
0x4d: {  	_ =	shalt  }
0x4e: {  	_ =	shalt  }
0x4f: {  	_ =	shalt  }
0x50: {  	_ =	shalt  }
0x51: {  	_ =	shalt  }
0x52: {  	_ =	shalt  }
0x53: {  	_ =	shalt  }
0x54: {  	_ =	shalt  }
0x55: {  	_ =	shalt  }
0x56: {  	_ =	shalt  }
0x57: {  	_ =	shalt  }
0x58: {  	_ =	shalt  }
0x59: {  	_ =	shalt  }
0x5a: {  	_ =	shalt  }
0x5b: {  	_ =	shalt  }
0x5c: {  	_ =	shalt  }
0x5d: {  	_ =	shalt  }
0x5e: {  	_ =	shalt  }
0x5f: {  	_ =	shalt  }
0x60: {  	_ =	shalt  }
0x61: {  	_ =	shalt  }
0x62: {  	_ =	shalt  }
0x63: {  	_ =	shalt  }
0x64: {  	_ =	shalt  }
0x65: {  	_ =	shalt  }
0x66: {  	_ =	shalt  }
0x67: {  	_ =	shalt  }
0x68: {  	_ =	shalt  }
0x69: {  	_ =	shalt  }
0x6a: {  	_ =	shalt  }
0x6b: {  	_ =	shalt  }
0x6c: {  	_ =	shalt  }
0x6d: {  	_ =	shalt  }
0x6e: {  	_ =	shalt  }
0x6f: {  	_ =	shalt  }
0x70: {  	_ =	shalt  }
0x71: {  	_ =	shalt  }
0x72: {  	_ =	shalt  }
0x73: {  	_ =	shalt  }
0x74: {  	_ =	shalt  }
0x75: {  	_ =	shalt  }
0x76: {  	_ =	shalt  }
0x77: {  	_ =	shalt  }
0x78: {  	_ =	shalt  }
0x79: {  	_ =	shalt  }
0x7a: {  	_ =	shalt  }
0x7b: {  	_ =	shalt  }
0x7c: {  	_ =	shalt  }
0x7d: {  	_ =	shalt  }
0x7e: {  	_ =	shalt  }
0x7f: {  	_ =	shalt  }
0x80: {  	_ =	shalt  }
0x81: {  	_ =	shalt  }
0x82: {  	_ =	shalt  }
0x83: {  	_ =	shalt  }
0x84: {  	_ =	shalt  }
0x85: {  	_ =	shalt  }
0x86: {  	_ =	shalt  }
0x87: {  	_ =	shalt  }
.Lfunc_end0:
.L_simem_size_0:
called_computation_lowered:
.L_overlay_start_0:
0x88: {  	s2 =	sld [smem:$0x3FD9]  }
0x89: {  	s3 =	sld [smem:$0x3FFE];
	_ =	sdelay $0x1  }
0x8a: {  	s1 =	srdreg.scid  }
0x8b: {  	s0 =	sand.u32 $0x1, s1  }
0x8c: {  	s17 =	sshll.u32 s0, $0xA;
	s2 =	sadd.s32 s3, s2  }
0x8d: {  	s2 =	sadd.s32 s2, s17  }
0x8e: {  	[smem:$0x3FC6] =	sst s2  }
0x8f: {  	_ = 	snop  }
0x90: {  	s2 =	sld [smem:$0x3FC9]  }
0x91: {  	s18 =	sld [smem:$0x3FC8];
	(tm) =	ssettm $0x1  }
0x92: {  	s4 =	sld [smem:$0x3FFB];
	_ =	sdelay $0x3  }
0x93: {  	_ =	strace s4  }
0x94: {  	s4 =	sld [smem:$0x3FFC];
	_ =	sdelay $0x3  }
0x95: {  	_ =	strace s4  }
0x96: {  	s4 =	sld [smem:$0x3FFD];
	_ =	sdelay $0x3  }
0x97: {  	_ =	strace s4  }
0x98: {  	_ =	strace $0x8FFFFFFF  }
0x99: {  	s19 =	sld [smem:$0x3FDB];
	_ =	sdelay $0x1  }
0x9a: {  	s5 =	simm.s32 $_scs_section_size  }
0x9b: {  	s6 =	simm.s32 $_size__tile_overlayer_lowered;
	s7 =	simm.s32 $_tile_overlayer_lowered  }
0x9c: {  	s22 =	simm.s32 $0x1BFF;
	s21 =	sshll.u32 s7, $0x1;
	s4 =	sadd.s32 s5, s19  }
0x9d: {  	s8 =	simm.s32 $0x0;
	s20 =	sshll.u32 s6, $0x1;
	s6 =	sadd.s32 s21, s4  }
0x9e: {  	[timem:s8], [sflag:s22] =	dma.local [hbm:s6], s20  }
0x9f: {  	_ =	swait.ge [sflag:s22], s20  }
0xa0: {  	s5 =	ssub.s32 $0x0, s20;
	[sflag:s22] =	ssyncset.done $0x0  }
0xa1: {  	[sflag:s22] =	ssyncadd.s32 s5;
	_ =	sdelay $0x1  }
0xa2: {  	s23 =	simm.s32 $0x1B8B  }
0xa3: {  	_ =	swait.ge [sflag:s23], $0x1  }
0xa4: {  	[sflag:s23] =	ssyncset.done $0x0  }
0xa5: {  	s25 =	simm.s32 $0x1B8E;
	s24 =	sld [smem:$0x3FFE];
	[sflag:s23] =	ssyncadd.s32 $0xFFFFFFFF  }
0xa6: {  	s26 =	simm.s32 $execute0_lowered;
	[smem:$0x3FD2] =	sst s25  }
0xa7: {  	s6 =	sshll.u32 s26, $0x1;
	_ =	strace $0x80000046;
	[dreg:$0x1] =	wrdreg $0xFFFFFFFF  }
0xa8: {  	s28 =	simm.s32 $_size_execute0_lowered;
	s4 =	sadd.s32 s4, s6;
	[dreg:$0x0] =	wrdreg $0x0  }
0xa9: {  	s6 =	sshll.u32 s28, $0x1;
	[dreg:$0x2] =	wrdreg s4  }
0xaa: {  	[dreg:$0x3] =	wrdreg s6  }
0xab: {  	[dreg:$0x4] =	wrdreg $0xC0  }
0xac: {  	_ =	task [dreg:s8], $0x5FFFF  }
0xad: {  	[dreg:$0x1] =	wrdreg $0xFFFFFFFF  }
0xae: {  	[dreg:$0x0] =	wrdreg $0x60  }
0xaf: {  	[dreg:$0x2] =	wrdreg s2  }
0xb0: {  	[dreg:$0x3] =	wrdreg s18  }
0xb1: {  	[dreg:$0x4] =	wrdreg s24  }
0xb2: {  	[dreg:$0x5] =	wrdreg $0x0  }
0xb3: {  	[dreg:$0x6] =	wrdreg $0x9  }
0xb4: {  	_ =	task.clear_ibuf [dreg:s8], $0x7FFFF;
	_ =	strace $0x90000046  }
0xb5: {  	s29 =	simm.s32 $0x9;
	_ =	strace $0x80000048  }
0xb6: {  	_ =	swait.ge [sflag:s29], $0x1  }
0xb7: {  	[sflag:s29] =	ssyncadd.s32 $0xFFFFFFFF  }
0xb8: {  	_ =	strace $0x90000048  }
0xb9: {  	_ =	sfence  }
0xba: {  	s30 =	sld [smem:$0x0];
	_ =	sdelay $0x2  }
0xbb: {  	s31 =	sshll.u32 s1, $0xD;
	s1 =	sshrl.u32 s1, $0x2  }
0xbc: {  	s3 =	sand.u32 $0x4000, s31;
	s1 =	sadd.s32 s1, s30  }
0xbd: {  	s0 =	sor.u32 s3, s0;
	s1 =	sshll.u32 s1, $0x11  }
0xbe: {  	s0 =	sor.u32 s1, s0  }
0xbf: {  	s0 =	sadd.s32 $0x8F2B, s0  }
0xc0: {  	[sflag:s0] =	ssyncadd.remote.s32 $0x1  }
0xc1: {  	_ =	sfence.sel $0xFFFF  }
0xc2: {  	[dreg:$0x0] =	wrdreg $0xFFFFFFFF;
	(pc) =	sbr.abs _section_cstart, $3  }
0xc3: {  	[dreg:$0x1] =	wrdreg $0xFFFFFFFF  }
0xc4: {  	_ =	task.clear_ibuf [dreg:s8], $0x2FFFF;
	_ =	strace $0x9FFFFFFF  }
0xc5: {  	(tm) =	ssettm $0x7FFFFFFF  }
tec
execute0_lowered:
.L_overlay_start_1:
0x0: {  	(tag) =	ssettag $0x1  }
0x1: {  	s6 =	rddreg [dreg:$0x0]  }
0x2: {  	s10 =	rddreg [dreg:$0x1]  }
0x3: {  	s12 =	rddreg [dreg:$0x2]  }
0x4: {  	s1 =	rddreg [dreg:$0x3];
	s2 =	simm.s32 $0x0  }
0x5: {  	v0 =	vimm.f32 $0.0e+00;
	[smem:$0x7FF] =	sst s2  }
0x6: {  	s0 =	rddreg [dreg:$0x4];
	_ =	strace $0x80000047;
	[tilespmem:$0xC40] =	vst v0  }
0x7: {  	[tilespmem:$0xC50] =	vst v0  }
0x8: {  	[tilespmem:$0xC60] =	vst v0  }
0x9: {  	[tilespmem:$0xC70] =	vst v0  }
0xa: {  	[tilespmem:$0xC80] =	vst v0  }
0xb: {  	[tilespmem:$0xC90] =	vst v0  }
0xc: {  	[tilespmem:$0xCA0] =	vst v0  }
0xd: {  	[tilespmem:$0xC20] =	vst v0  }
0xe: {  	[tilespmem:$0x1810] =	vst v0  }
0xf: {  	[tilespmem:$0x1800] =	vst v0  }
0x10: {  	[tilespmem:$0x17F0] =	vst v0  }
0x11: {  	[tilespmem:$0x17E0] =	vst v0  }
0x12: {  	[tilespmem:$0x17D0] =	vst v0  }
0x13: {  	[tilespmem:$0x17C0] =	vst v0  }
0x14: {  	[tilespmem:$0x17B0] =	vst v0  }
0x15: {  	[tilespmem:$0x17A0] =	vst v0  }
0x16: {  	[tilespmem:$0x1790] =	vst v0  }
0x17: {  	[tilespmem:$0x1780] =	vst v0  }
0x18: {  	[tilespmem:$0x1770] =	vst v0  }
0x19: {  	[tilespmem:$0x1760] =	vst v0  }
0x1a: {  	[tilespmem:$0x1750] =	vst v0  }
0x1b: {  	[tilespmem:$0x1740] =	vst v0  }
0x1c: {  	[tilespmem:$0x1730] =	vst v0  }
0x1d: {  	[tilespmem:$0x1720] =	vst v0  }
0x1e: {  	[tilespmem:$0x1710] =	vst v0  }
0x1f: {  	[tilespmem:$0x1700] =	vst v0  }
0x20: {  	[tilespmem:$0x16F0] =	vst v0  }
0x21: {  	[tilespmem:$0x16E0] =	vst v0  }
0x22: {  	[tilespmem:$0x16D0] =	vst v0  }
0x23: {  	[tilespmem:$0x16C0] =	vst v0  }
0x24: {  	[tilespmem:$0x16B0] =	vst v0  }
0x25: {  	[tilespmem:$0x16A0] =	vst v0  }
0x26: {  	[tilespmem:$0x1690] =	vst v0  }
0x27: {  	[tilespmem:$0x1680] =	vst v0  }
0x28: {  	[tilespmem:$0x1670] =	vst v0  }
0x29: {  	[tilespmem:$0x1660] =	vst v0  }
0x2a: {  	[tilespmem:$0x1650] =	vst v0  }
0x2b: {  	[tilespmem:$0x1640] =	vst v0  }
0x2c: {  	[tilespmem:$0x1630] =	vst v0  }
0x2d: {  	[tilespmem:$0x1620] =	vst v0  }
0x2e: {  	[tilespmem:$0x1610] =	vst v0  }
0x2f: {  	[tilespmem:$0x1600] =	vst v0  }
0x30: {  	[tilespmem:$0x15F0] =	vst v0  }
0x31: {  	[tilespmem:$0x15E0] =	vst v0  }
0x32: {  	[tilespmem:$0x15D0] =	vst v0  }
0x33: {  	[tilespmem:$0x15C0] =	vst v0  }
0x34: {  	[tilespmem:$0x15B0] =	vst v0  }
0x35: {  	[tilespmem:$0x15A0] =	vst v0  }
0x36: {  	[tilespmem:$0x1590] =	vst v0  }
0x37: {  	[tilespmem:$0x1580] =	vst v0  }
0x38: {  	[tilespmem:$0x1570] =	vst v0  }
0x39: {  	[tilespmem:$0x1560] =	vst v0  }
0x3a: {  	[tilespmem:$0x1550] =	vst v0  }
0x3b: {  	[tilespmem:$0x1540] =	vst v0  }
0x3c: {  	[tilespmem:$0x1530] =	vst v0  }
0x3d: {  	[tilespmem:$0x1520] =	vst v0  }
0x3e: {  	[tilespmem:$0x1510] =	vst v0  }
0x3f: {  	[tilespmem:$0x1500] =	vst v0  }
0x40: {  	[tilespmem:$0x14F0] =	vst v0  }
0x41: {  	[tilespmem:$0x14E0] =	vst v0  }
0x42: {  	[tilespmem:$0x14D0] =	vst v0  }
0x43: {  	[tilespmem:$0x14C0] =	vst v0  }
0x44: {  	[tilespmem:$0x14B0] =	vst v0  }
0x45: {  	[tilespmem:$0x14A0] =	vst v0  }
0x46: {  	[tilespmem:$0x1490] =	vst v0  }
0x47: {  	[tilespmem:$0x1480] =	vst v0  }
0x48: {  	[tilespmem:$0x1470] =	vst v0  }
0x49: {  	[tilespmem:$0x1460] =	vst v0  }
0x4a: {  	[tilespmem:$0x1450] =	vst v0  }
0x4b: {  	[tilespmem:$0x1440] =	vst v0  }
0x4c: {  	[tilespmem:$0x1430] =	vst v0  }
0x4d: {  	[tilespmem:$0x1420] =	vst v0  }
0x4e: {  	[tilespmem:$0x1410] =	vst v0  }
0x4f: {  	[tilespmem:$0x1400] =	vst v0  }
0x50: {  	[tilespmem:$0x13F0] =	vst v0  }
0x51: {  	[tilespmem:$0x13E0] =	vst v0  }
0x52: {  	[tilespmem:$0x13D0] =	vst v0  }
0x53: {  	[tilespmem:$0x13C0] =	vst v0  }
0x54: {  	[tilespmem:$0x13B0] =	vst v0  }
0x55: {  	[tilespmem:$0x13A0] =	vst v0  }
0x56: {  	[tilespmem:$0x1390] =	vst v0  }
0x57: {  	[tilespmem:$0x1380] =	vst v0  }
0x58: {  	[tilespmem:$0x1370] =	vst v0  }
0x59: {  	[tilespmem:$0x1360] =	vst v0  }
0x5a: {  	[tilespmem:$0x1350] =	vst v0  }
0x5b: {  	[tilespmem:$0x1340] =	vst v0  }
0x5c: {  	[tilespmem:$0x1330] =	vst v0  }
0x5d: {  	[tilespmem:$0x1320] =	vst v0  }
0x5e: {  	[tilespmem:$0x1310] =	vst v0  }
0x5f: {  	[tilespmem:$0x1300] =	vst v0  }
0x60: {  	[tilespmem:$0x12F0] =	vst v0  }
0x61: {  	[tilespmem:$0x12E0] =	vst v0  }
0x62: {  	[tilespmem:$0x12D0] =	vst v0  }
0x63: {  	[tilespmem:$0x12C0] =	vst v0  }
0x64: {  	[tilespmem:$0x12B0] =	vst v0  }
0x65: {  	[tilespmem:$0x12A0] =	vst v0  }
0x66: {  	[tilespmem:$0x1290] =	vst v0  }
0x67: {  	[tilespmem:$0x1280] =	vst v0  }
0x68: {  	[tilespmem:$0x1270] =	vst v0  }
0x69: {  	[tilespmem:$0x1260] =	vst v0  }
0x6a: {  	[tilespmem:$0x1250] =	vst v0  }
0x6b: {  	[tilespmem:$0x1240] =	vst v0  }
0x6c: {  	[tilespmem:$0x1230] =	vst v0  }
0x6d: {  	[tilespmem:$0x1220] =	vst v0  }
0x6e: {  	[tilespmem:$0x1210] =	vst v0  }
0x6f: {  	[tilespmem:$0x1200] =	vst v0  }
0x70: {  	[tilespmem:$0x11F0] =	vst v0  }
0x71: {  	[tilespmem:$0x11E0] =	vst v0  }
0x72: {  	[tilespmem:$0x11D0] =	vst v0  }
0x73: {  	[tilespmem:$0x11C0] =	vst v0  }
0x74: {  	[tilespmem:$0x11B0] =	vst v0  }
0x75: {  	[tilespmem:$0x11A0] =	vst v0  }
0x76: {  	[tilespmem:$0x1190] =	vst v0  }
0x77: {  	[tilespmem:$0x1180] =	vst v0  }
0x78: {  	[tilespmem:$0x1170] =	vst v0  }
0x79: {  	[tilespmem:$0x1160] =	vst v0  }
0x7a: {  	[tilespmem:$0x1150] =	vst v0  }
0x7b: {  	[tilespmem:$0x1140] =	vst v0  }
0x7c: {  	[tilespmem:$0x1130] =	vst v0  }
0x7d: {  	[tilespmem:$0x1120] =	vst v0  }
0x7e: {  	[tilespmem:$0x1110] =	vst v0  }
0x7f: {  	[tilespmem:$0x1100] =	vst v0  }
0x80: {  	[tilespmem:$0x10F0] =	vst v0  }
0x81: {  	[tilespmem:$0x10E0] =	vst v0  }
0x82: {  	[tilespmem:$0x10D0] =	vst v0  }
0x83: {  	[tilespmem:$0x10C0] =	vst v0  }
0x84: {  	[tilespmem:$0x10B0] =	vst v0  }
0x85: {  	[tilespmem:$0x10A0] =	vst v0  }
0x86: {  	[tilespmem:$0x1090] =	vst v0  }
0x87: {  	[tilespmem:$0x1080] =	vst v0  }
0x88: {  	[tilespmem:$0x1070] =	vst v0  }
0x89: {  	[tilespmem:$0x1060] =	vst v0  }
0x8a: {  	[tilespmem:$0x1050] =	vst v0  }
0x8b: {  	[tilespmem:$0x1040] =	vst v0  }
0x8c: {  	[tilespmem:$0x1030] =	vst v0  }
0x8d: {  	[tilespmem:$0x1020] =	vst v0  }
0x8e: {  	[tilespmem:$0x1010] =	vst v0  }
0x8f: {  	[tilespmem:$0x1000] =	vst v0  }
0x90: {  	[tilespmem:$0xFF0] =	vst v0  }
0x91: {  	[tilespmem:$0xFE0] =	vst v0  }
0x92: {  	[tilespmem:$0xFD0] =	vst v0  }
0x93: {  	[tilespmem:$0xFC0] =	vst v0  }
0x94: {  	[tilespmem:$0xFB0] =	vst v0  }
0x95: {  	[tilespmem:$0xFA0] =	vst v0  }
0x96: {  	[tilespmem:$0xF90] =	vst v0  }
0x97: {  	[tilespmem:$0xF80] =	vst v0  }
0x98: {  	[tilespmem:$0xF70] =	vst v0  }
0x99: {  	[tilespmem:$0xF60] =	vst v0  }
0x9a: {  	[tilespmem:$0xF50] =	vst v0  }
0x9b: {  	[tilespmem:$0xF40] =	vst v0  }
0x9c: {  	[tilespmem:$0xF30] =	vst v0  }
0x9d: {  	[tilespmem:$0xF20] =	vst v0  }
0x9e: {  	[tilespmem:$0xF10] =	vst v0  }
0x9f: {  	[tilespmem:$0xF00] =	vst v0  }
0xa0: {  	[tilespmem:$0xEF0] =	vst v0  }
0xa1: {  	[tilespmem:$0xEE0] =	vst v0  }
0xa2: {  	[tilespmem:$0xED0] =	vst v0  }
0xa3: {  	[tilespmem:$0xEC0] =	vst v0  }
0xa4: {  	[tilespmem:$0xEB0] =	vst v0  }
0xa5: {  	[tilespmem:$0xEA0] =	vst v0  }
0xa6: {  	[tilespmem:$0xE90] =	vst v0  }
0xa7: {  	[tilespmem:$0xE80] =	vst v0  }
0xa8: {  	[tilespmem:$0xE70] =	vst v0  }
0xa9: {  	[tilespmem:$0xE60] =	vst v0  }
0xaa: {  	[tilespmem:$0xE50] =	vst v0  }
0xab: {  	[tilespmem:$0xE40] =	vst v0  }
0xac: {  	[tilespmem:$0xE30] =	vst v0  }
0xad: {  	[tilespmem:$0xE20] =	vst v0  }
0xae: {  	[tilespmem:$0xE10] =	vst v0  }
0xaf: {  	[tilespmem:$0xE00] =	vst v0  }
0xb0: {  	[tilespmem:$0xDF0] =	vst v0  }
0xb1: {  	[tilespmem:$0xDE0] =	vst v0  }
0xb2: {  	[tilespmem:$0xDD0] =	vst v0  }
0xb3: {  	[tilespmem:$0xDC0] =	vst v0  }
0xb4: {  	[tilespmem:$0xDB0] =	vst v0  }
0xb5: {  	[tilespmem:$0xDA0] =	vst v0  }
0xb6: {  	[tilespmem:$0xD90] =	vst v0  }
0xb7: {  	[tilespmem:$0xD80] =	vst v0  }
0xb8: {  	[tilespmem:$0xD70] =	vst v0  }
0xb9: {  	[tilespmem:$0xD60] =	vst v0  }
0xba: {  	[tilespmem:$0xD50] =	vst v0  }
0xbb: {  	[tilespmem:$0xD40] =	vst v0  }
0xbc: {  	[tilespmem:$0xD30] =	vst v0  }
0xbd: {  	[tilespmem:$0xD20] =	vst v0  }
0xbe: {  	[tilespmem:$0xD10] =	vst v0  }
0xbf: {  	[tilespmem:$0xD00] =	vst v0  }
0xc0: {  	[tilespmem:$0xCF0] =	vst v0  }
0xc1: {  	s3 =	srdreg.scid;
	s2 =	stileid.u32;
	[tilespmem:$0xCE0] =	vst v0  }
0xc2: {  	s13 =	sand.u32 $0x1, s3;
	s4 =	smul.u32 $0x3000, s2;
	[tilespmem:$0xCD0] =	vst v0  }
0xc3: {  	s11 =	smul.u32 $0xC000, s13;
	[tilespmem:$0xCC0] =	vst v0  }
0xc4: {  	s5 =	simm.s32 $0xC20;
	s7 =	smul.u32 $0xC0, s13;
	[tilespmem:$0xCB0] =	vst v0;
	s26 =	sshrl.u32 s4, $0x2  }
0xc5: {  	s8 =	sshll.u32 s2, $0x4;
	[tilespmem:$0xC30] =	vst v0;
	s4 =	simm.s32 $0x1;
	s3 =	sadd.s32 s26, s1  }
0xc6: {  	[spmem:s3] =	stream.linear.scatter [tilespmem:s5], [sflag:$0x1], $0xC00, $0x38;
	[tilespmem:$0x1820] =	vst v63  }
0xc7: {  	s14 =	smul.u32 $0xC00, s2;
	p0 =	sgt.u32 s2, $0xB;
	_ =	swait.ge [sflag:s4], $0xC00  }
0xc8: {  	s9 =	simm.s32 @!p0 $0xC00;
	s7 =	sadd.s32 s8, s7;
	[sflag:s4] =	ssyncset.done $0x0  }
0xc9: {  	s8 =	simm.s32 @!p0 $0x0;
	s15 =	sshrl.u32 s7, $0x3;
	[sflag:s4] =	ssyncadd.s32 $0xFFFFF400  }
0xca: {  	s7 =	simm.s32 @!p0 $0x1;
	s6 =	sadd.s32 s6, s15;
	[bflag:$0x0] =	sbarrier.arrive $0xFFFF  }
0xcb: {  	[tilespmem:s9], [sflag:$0x1] =	stream.linear.gather @!p0 [hbm4b:s6+s8], $0x10, $0x38;
	[tilespmem:$0x1820] =	vst v63  }
0xcc: {  	_ =	swait.ge @!p0 [sflag:s7], $0x10  }
0xcd: {  	s13 =	ssub.s32 $0x2, s13;
	s16 =	sadd.s32 s14, s11;
	[sflag:s7] =	ssyncset.done @!p0 $0x0  }
0xce: {  	s11 =	simm.s32 @!p0 $0xC10;
	s10 =	sadd.s32 s10, s15;
	[sflag:s7] =	ssyncadd.s32 @!p0 $0xFFFFFFF0  }
0xcf: {  	[tilespmem:s11], [sflag:$0x1] =	stream.linear.gather @!p0 [hbm4b:s10+s8], $0x10, $0x38;
	[tilespmem:$0x1820] =	vst v63  }
0xd0: {  	s29 =	sshrl.u32 s13, $0x1;
	s28 =	sshrl.u32 s16, $0x3;
	_ =	swait.ge @!p0 [sflag:s7], $0x10  }
0xd1: {  	s16 =	ssub.s32 s13, s29;
	s15 =	sadd.s32 s28, s12;
	[sflag:s7] =	ssyncset.done @!p0 $0x0  }
0xd2: {  	s12 =	simm.s32 @!p0 $0x10;
	s16 =	smax.u32 s16, $0x1;
	[sflag:s7] =	ssyncadd.s32 @!p0 $0xFFFFFFF0  }
0xd3: {  	[spmem:s1] =	stream.indirect.scatter.add.f32 @!p0 [tilespmem:s11], [sflag:$0x1], $0x1, s9, s12, $0xb8;
	[tilespmem:$0x1820] =	vst v63  }
0xd4: {  	s31 =	sshll.u32 s2, $0x6;
	s16 =	sadd.s32 $0xFFFFFFFF, s16;
	_ =	swait.ge @!p0 [sflag:s7], $0x10  }
0xd5: {  	s30 =	sadd.s32 s14, s1;
	p1 =	sne.s32 s16, $0x0;
	[sflag:s7] =	ssyncset.done @!p0 $0x0  }
.Ltmp0:
0xd6: {  	s14 =	sor.u32 $0x1C01, s31;
	[sflag:s7] =	ssyncadd.s32 @!p0 $0xFFFFFFF0;
	(pc) =	sbr.rel @!p1 .LBB2_2-.Ltmp0, $4  }
0xd7: {  	s13 =	sadd.s32 $0x400, s15;
	s15 =	sshrl.u32 s30, $0x3;
	[bflag:$0x0] =	sbarrier.arrive $0xFFFF  }
0xd8: {  	[hbm:s13], [sflag:s14] =	dma.local [spmem:s15], $0x180  }
0xd9: {  	_ =	swait.ge [sflag:s4], $0x180  }
0xda: {  	[sflag:s4] =	ssyncset.done $0x0  }
.LBB2_1:
0xdb: {  	s16 =	sadd.s32 $0xFFFFFFFF, s16;
	[sflag:s4] =	ssyncadd.s32 $0xFFFFFE80  }
0xdc: {  	[tilespmem:$0xC40] =	vst v0;
	p1 =	sne.s32 s16, $0x0  }
0xdd: {  	[tilespmem:$0xC50] =	vst v0  }
0xde: {  	[tilespmem:$0xC60] =	vst v0  }
0xdf: {  	[tilespmem:$0xC70] =	vst v0  }
0xe0: {  	[tilespmem:$0xC80] =	vst v0  }
0xe1: {  	[tilespmem:$0xC90] =	vst v0  }
0xe2: {  	[tilespmem:$0xCA0] =	vst v0  }
0xe3: {  	[tilespmem:$0xC20] =	vst v0  }
0xe4: {  	[tilespmem:$0x1810] =	vst v0  }
0xe5: {  	[tilespmem:$0x1800] =	vst v0  }
0xe6: {  	[tilespmem:$0x17F0] =	vst v0  }
0xe7: {  	[tilespmem:$0x17E0] =	vst v0  }
0xe8: {  	[tilespmem:$0x17D0] =	vst v0  }
0xe9: {  	[tilespmem:$0x17C0] =	vst v0  }
0xea: {  	[tilespmem:$0x17B0] =	vst v0  }
0xeb: {  	[tilespmem:$0x17A0] =	vst v0  }
0xec: {  	[tilespmem:$0x1790] =	vst v0  }
0xed: {  	[tilespmem:$0x1780] =	vst v0  }
0xee: {  	[tilespmem:$0x1770] =	vst v0  }
0xef: {  	[tilespmem:$0x1760] =	vst v0  }
0xf0: {  	[tilespmem:$0x1750] =	vst v0  }
0xf1: {  	[tilespmem:$0x1740] =	vst v0  }
0xf2: {  	[tilespmem:$0x1730] =	vst v0  }
0xf3: {  	[tilespmem:$0x1720] =	vst v0  }
0xf4: {  	[tilespmem:$0x1710] =	vst v0  }
0xf5: {  	[tilespmem:$0x1700] =	vst v0  }
0xf6: {  	[tilespmem:$0x16F0] =	vst v0  }
0xf7: {  	[tilespmem:$0x16E0] =	vst v0  }
0xf8: {  	[tilespmem:$0x16D0] =	vst v0  }
0xf9: {  	[tilespmem:$0x16C0] =	vst v0  }
0xfa: {  	[tilespmem:$0x16B0] =	vst v0  }
0xfb: {  	[tilespmem:$0x16A0] =	vst v0  }
0xfc: {  	[tilespmem:$0x1690] =	vst v0  }
0xfd: {  	[tilespmem:$0x1680] =	vst v0  }
0xfe: {  	[tilespmem:$0x1670] =	vst v0  }
0xff: {  	[tilespmem:$0x1660] =	vst v0  }
0x100: {  	[tilespmem:$0x1650] =	vst v0  }
0x101: {  	[tilespmem:$0x1640] =	vst v0  }
0x102: {  	[tilespmem:$0x1630] =	vst v0  }
0x103: {  	[tilespmem:$0x1620] =	vst v0  }
0x104: {  	[tilespmem:$0x1610] =	vst v0  }
0x105: {  	[tilespmem:$0x1600] =	vst v0  }
0x106: {  	[tilespmem:$0x15F0] =	vst v0  }
0x107: {  	[tilespmem:$0x15E0] =	vst v0  }
0x108: {  	[tilespmem:$0x15D0] =	vst v0  }
0x109: {  	[tilespmem:$0x15C0] =	vst v0  }
0x10a: {  	[tilespmem:$0x15B0] =	vst v0  }
0x10b: {  	[tilespmem:$0x15A0] =	vst v0  }
0x10c: {  	[tilespmem:$0x1590] =	vst v0  }
0x10d: {  	[tilespmem:$0x1580] =	vst v0  }
0x10e: {  	[tilespmem:$0x1570] =	vst v0  }
0x10f: {  	[tilespmem:$0x1560] =	vst v0  }
0x110: {  	[tilespmem:$0x1550] =	vst v0  }
0x111: {  	[tilespmem:$0x1540] =	vst v0  }
0x112: {  	[tilespmem:$0x1530] =	vst v0  }
0x113: {  	[tilespmem:$0x1520] =	vst v0  }
0x114: {  	[tilespmem:$0x1510] =	vst v0  }
0x115: {  	[tilespmem:$0x1500] =	vst v0  }
0x116: {  	[tilespmem:$0x14F0] =	vst v0  }
0x117: {  	[tilespmem:$0x14E0] =	vst v0  }
0x118: {  	[tilespmem:$0x14D0] =	vst v0  }
0x119: {  	[tilespmem:$0x14C0] =	vst v0  }
0x11a: {  	[tilespmem:$0x14B0] =	vst v0  }
0x11b: {  	[tilespmem:$0x14A0] =	vst v0  }
0x11c: {  	[tilespmem:$0x1490] =	vst v0  }
0x11d: {  	[tilespmem:$0x1480] =	vst v0  }
0x11e: {  	[tilespmem:$0x1470] =	vst v0  }
0x11f: {  	[tilespmem:$0x1460] =	vst v0  }
0x120: {  	[tilespmem:$0x1450] =	vst v0  }
0x121: {  	[tilespmem:$0x1440] =	vst v0  }
0x122: {  	[tilespmem:$0x1430] =	vst v0  }
0x123: {  	[tilespmem:$0x1420] =	vst v0  }
0x124: {  	[tilespmem:$0x1410] =	vst v0  }
0x125: {  	[tilespmem:$0x1400] =	vst v0  }
0x126: {  	[tilespmem:$0x13F0] =	vst v0  }
0x127: {  	[tilespmem:$0x13E0] =	vst v0  }
0x128: {  	[tilespmem:$0x13D0] =	vst v0  }
0x129: {  	[tilespmem:$0x13C0] =	vst v0  }
0x12a: {  	[tilespmem:$0x13B0] =	vst v0  }
0x12b: {  	[tilespmem:$0x13A0] =	vst v0  }
0x12c: {  	[tilespmem:$0x1390] =	vst v0  }
0x12d: {  	[tilespmem:$0x1380] =	vst v0  }
0x12e: {  	[tilespmem:$0x1370] =	vst v0  }
0x12f: {  	[tilespmem:$0x1360] =	vst v0  }
0x130: {  	[tilespmem:$0x1350] =	vst v0  }
0x131: {  	[tilespmem:$0x1340] =	vst v0  }
0x132: {  	[tilespmem:$0x1330] =	vst v0  }
0x133: {  	[tilespmem:$0x1320] =	vst v0  }
0x134: {  	[tilespmem:$0x1310] =	vst v0  }
0x135: {  	[tilespmem:$0x1300] =	vst v0  }
0x136: {  	[tilespmem:$0x12F0] =	vst v0  }
0x137: {  	[tilespmem:$0x12E0] =	vst v0  }
0x138: {  	[tilespmem:$0x12D0] =	vst v0  }
0x139: {  	[tilespmem:$0x12C0] =	vst v0  }
0x13a: {  	[tilespmem:$0x12B0] =	vst v0  }
0x13b: {  	[tilespmem:$0x12A0] =	vst v0  }
0x13c: {  	[tilespmem:$0x1290] =	vst v0  }
0x13d: {  	[tilespmem:$0x1280] =	vst v0  }
0x13e: {  	[tilespmem:$0x1270] =	vst v0  }
0x13f: {  	[tilespmem:$0x1260] =	vst v0  }
0x140: {  	[tilespmem:$0x1250] =	vst v0  }
0x141: {  	[tilespmem:$0x1240] =	vst v0  }
0x142: {  	[tilespmem:$0x1230] =	vst v0  }
0x143: {  	[tilespmem:$0x1220] =	vst v0  }
0x144: {  	[tilespmem:$0x1210] =	vst v0  }
0x145: {  	[tilespmem:$0x1200] =	vst v0  }
0x146: {  	[tilespmem:$0x11F0] =	vst v0  }
0x147: {  	[tilespmem:$0x11E0] =	vst v0  }
0x148: {  	[tilespmem:$0x11D0] =	vst v0  }
0x149: {  	[tilespmem:$0x11C0] =	vst v0  }
0x14a: {  	[tilespmem:$0x11B0] =	vst v0  }
0x14b: {  	[tilespmem:$0x11A0] =	vst v0  }
0x14c: {  	[tilespmem:$0x1190] =	vst v0  }
0x14d: {  	[tilespmem:$0x1180] =	vst v0  }
0x14e: {  	[tilespmem:$0x1170] =	vst v0  }
0x14f: {  	[tilespmem:$0x1160] =	vst v0  }
0x150: {  	[tilespmem:$0x1150] =	vst v0  }
0x151: {  	[tilespmem:$0x1140] =	vst v0  }
0x152: {  	[tilespmem:$0x1130] =	vst v0  }
0x153: {  	[tilespmem:$0x1120] =	vst v0  }
0x154: {  	[tilespmem:$0x1110] =	vst v0  }
0x155: {  	[tilespmem:$0x1100] =	vst v0  }
0x156: {  	[tilespmem:$0x10F0] =	vst v0  }
0x157: {  	[tilespmem:$0x10E0] =	vst v0  }
0x158: {  	[tilespmem:$0x10D0] =	vst v0  }
0x159: {  	[tilespmem:$0x10C0] =	vst v0  }
0x15a: {  	[tilespmem:$0x10B0] =	vst v0  }
0x15b: {  	[tilespmem:$0x10A0] =	vst v0  }
0x15c: {  	[tilespmem:$0x1090] =	vst v0  }
0x15d: {  	[tilespmem:$0x1080] =	vst v0  }
0x15e: {  	[tilespmem:$0x1070] =	vst v0  }
0x15f: {  	[tilespmem:$0x1060] =	vst v0  }
0x160: {  	[tilespmem:$0x1050] =	vst v0  }
0x161: {  	[tilespmem:$0x1040] =	vst v0  }
0x162: {  	[tilespmem:$0x1030] =	vst v0  }
0x163: {  	[tilespmem:$0x1020] =	vst v0  }
0x164: {  	[tilespmem:$0x1010] =	vst v0  }
0x165: {  	[tilespmem:$0x1000] =	vst v0  }
0x166: {  	[tilespmem:$0xFF0] =	vst v0  }
0x167: {  	[tilespmem:$0xFE0] =	vst v0  }
0x168: {  	[tilespmem:$0xFD0] =	vst v0  }
0x169: {  	[tilespmem:$0xFC0] =	vst v0  }
0x16a: {  	[tilespmem:$0xFB0] =	vst v0  }
0x16b: {  	[tilespmem:$0xFA0] =	vst v0  }
0x16c: {  	[tilespmem:$0xF90] =	vst v0  }
0x16d: {  	[tilespmem:$0xF80] =	vst v0  }
0x16e: {  	[tilespmem:$0xF70] =	vst v0  }
0x16f: {  	[tilespmem:$0xF60] =	vst v0  }
0x170: {  	[tilespmem:$0xF50] =	vst v0  }
0x171: {  	[tilespmem:$0xF40] =	vst v0  }
0x172: {  	[tilespmem:$0xF30] =	vst v0  }
0x173: {  	[tilespmem:$0xF20] =	vst v0  }
0x174: {  	[tilespmem:$0xF10] =	vst v0  }
0x175: {  	[tilespmem:$0xF00] =	vst v0  }
0x176: {  	[tilespmem:$0xEF0] =	vst v0  }
0x177: {  	[tilespmem:$0xEE0] =	vst v0  }
0x178: {  	[tilespmem:$0xED0] =	vst v0  }
0x179: {  	[tilespmem:$0xEC0] =	vst v0  }
0x17a: {  	[tilespmem:$0xEB0] =	vst v0  }
0x17b: {  	[tilespmem:$0xEA0] =	vst v0  }
0x17c: {  	[tilespmem:$0xE90] =	vst v0  }
0x17d: {  	[tilespmem:$0xE80] =	vst v0  }
0x17e: {  	[tilespmem:$0xE70] =	vst v0  }
0x17f: {  	[tilespmem:$0xE60] =	vst v0  }
0x180: {  	[tilespmem:$0xE50] =	vst v0  }
0x181: {  	[tilespmem:$0xE40] =	vst v0  }
0x182: {  	[tilespmem:$0xE30] =	vst v0  }
0x183: {  	[tilespmem:$0xE20] =	vst v0  }
0x184: {  	[tilespmem:$0xE10] =	vst v0  }
0x185: {  	[tilespmem:$0xE00] =	vst v0  }
0x186: {  	[tilespmem:$0xDF0] =	vst v0  }
0x187: {  	[tilespmem:$0xDE0] =	vst v0  }
0x188: {  	[tilespmem:$0xDD0] =	vst v0  }
0x189: {  	[tilespmem:$0xDC0] =	vst v0  }
0x18a: {  	[tilespmem:$0xDB0] =	vst v0  }
0x18b: {  	[tilespmem:$0xDA0] =	vst v0  }
0x18c: {  	[tilespmem:$0xD90] =	vst v0  }
0x18d: {  	[tilespmem:$0xD80] =	vst v0  }
0x18e: {  	[tilespmem:$0xD70] =	vst v0  }
0x18f: {  	[tilespmem:$0xD60] =	vst v0  }
0x190: {  	[tilespmem:$0xD50] =	vst v0  }
0x191: {  	[tilespmem:$0xD40] =	vst v0  }
0x192: {  	[tilespmem:$0xD30] =	vst v0  }
0x193: {  	[tilespmem:$0xD20] =	vst v0  }
0x194: {  	[tilespmem:$0xD10] =	vst v0  }
0x195: {  	[tilespmem:$0xD00] =	vst v0  }
0x196: {  	[tilespmem:$0xCF0] =	vst v0  }
0x197: {  	[tilespmem:$0xCE0] =	vst v0  }
0x198: {  	[tilespmem:$0xCD0] =	vst v0  }
0x199: {  	[tilespmem:$0xCC0] =	vst v0  }
0x19a: {  	[tilespmem:$0xCB0] =	vst v0  }
0x19b: {  	[tilespmem:$0xC30] =	vst v0  }
0x19c: {  	[spmem:s3] =	stream.linear.scatter [tilespmem:s5], [sflag:$0x1], $0xC00, $0x38;
	[tilespmem:$0x1820] =	vst v63  }
0x19d: {  	_ =	swait.ge [sflag:s4], $0xC00  }
0x19e: {  	[sflag:s4] =	ssyncset.done $0x0  }
0x19f: {  	[sflag:s4] =	ssyncadd.s32 $0xFFFFF400  }
0x1a0: {  	[bflag:$0x0] =	sbarrier.arrive $0xFFFF  }
0x1a1: {  	[tilespmem:s9], [sflag:$0x1] =	stream.linear.gather @!p0 [hbm4b:s6+s8], $0x10, $0x38;
	[tilespmem:$0x1820] =	vst v63  }
0x1a2: {  	_ =	swait.ge @!p0 [sflag:s7], $0x10  }
0x1a3: {  	[sflag:s7] =	ssyncset.done @!p0 $0x0  }
0x1a4: {  	[sflag:s7] =	ssyncadd.s32 @!p0 $0xFFFFFFF0  }
0x1a5: {  	[tilespmem:s11], [sflag:$0x1] =	stream.linear.gather @!p0 [hbm4b:s10+s8], $0x10, $0x38;
	[tilespmem:$0x1820] =	vst v63  }
0x1a6: {  	_ =	swait.ge @!p0 [sflag:s7], $0x10  }
0x1a7: {  	[sflag:s7] =	ssyncset.done @!p0 $0x0  }
0x1a8: {  	[sflag:s7] =	ssyncadd.s32 @!p0 $0xFFFFFFF0  }
0x1a9: {  	[spmem:s1] =	stream.indirect.scatter.add.f32 @!p0 [tilespmem:s11], [sflag:$0x1], $0x1, s9, s12, $0xb8;
	[tilespmem:$0x1820] =	vst v63  }
0x1aa: {  	_ =	swait.ge @!p0 [sflag:s7], $0x10  }
0x1ab: {  	[sflag:s7] =	ssyncset.done @!p0 $0x0  }
.Ltmp1:
0x1ac: {  	[sflag:s7] =	ssyncadd.s32 @!p0 $0xFFFFFFF0;
	(pc) =	sbr.rel @p1 .LBB2_1-.Ltmp1, $4  }
0x1ad: {  	[bflag:$0x0] =	sbarrier.arrive $0xFFFF  }
0x1ae: {  	[hbm:s13], [sflag:s14] =	dma.local [spmem:s15], $0x180  }
0x1af: {  	_ =	swait.ge [sflag:s4], $0x180  }
0x1b0: {  	[sflag:s4] =	ssyncset.done $0x0  }
.LBB2_2:
0x1b1: {  	[sflag:s4] =	ssyncadd.s32 $0xFFFFFE80  }
0x1b2: {  	_ =	sfence.sel $0x180000  }
0x1b3: {  	[bflag:$0x0] =	sbarrier.arrive $0xFFFF  }
0x1b4: {  	p0 =	sne.s32 s2, $0x0;
	_ =	strace $0x90000047  }
0x1b5: {  	s0 =	sadd.s32 @!p0 $0x100000, s0;
	[bflag:$0x2] =	sbarrier.arrive $0xFFFF  }
0x1b6: {  	[sflag:s0] =	ssyncadd.tile.s32 @!p0 $0x1;
	_ =	shalt  }
.Lfunc_end2:
_tile_overlayer_lowered:
.L_overlay_start_2:
0x1b7: {  	(tag) =	ssettag $0x2  }
0x1b8: {  	s0 =	rddreg [dreg:$0x0];
	s2 =	stileid.u32  }
0x1b9: {  	s1 =	rddreg [dreg:$0x1];
	p0 =	sne.s32 s2, $0x0  }
0x1ba: {  	s3 =	rddreg [dreg:$0x2];
	[bflag:$0x3] =	sbarrier.arrive $0xFFFF;
	s2 =	simm.s32 @!p0 $0x1C01  }
0x1bb: {  	[timem:s3], [sflag:s2] =	dma.local @!p0 [hbm:s0], s1  }
0x1bc: {  	s0 =	simm.s32 @!p0 $0x1  }
0x1bd: {  	_ =	swait.ge @!p0 [sflag:s0], s1  }
0x1be: {  	s1 =	ssub.s32 @!p0 $0x0, s1;
	[sflag:s0] =	ssyncset.done @!p0 $0x0  }
0x1bf: {  	[sflag:s0] =	ssyncadd.s32 @!p0 s1  }
0x1c0: {  	[bflag:$0x3] =	sbarrier.arrive $0xFFFF  }
0x1c1: {  	_ =	shalt  }

</sc_bundles>
